<compile_context>
chip_gen: v7x
topology: tpu7x:2x2x1
jax: 0.10.2.dev20260603
libtpu: 0.0.44.dev20260713+nightly
codegen_flags: <defaults>
</compile_context>

<pallas_src>
import functools

import numpy as np
import jax
import jax.numpy as jnp
from jax import lax
from jax.experimental import pallas as pl
from jax.experimental.pallas import tpu as pltpu
from jax.experimental.pallas import tpu_sc as plsc

_CRITERIA_TO_HEAD = [
    [0, 1, 2, 3, 4, 5, 6, 7, 0, 1, 2, 3],
    [1, 2, 3, 4, 5, 6, 7, 0],
    [2, 3, 4, 5, 6, 7, 0, 1, 2, 3, 4, 5, 6, 7, 0, 1],
    [3, 4, 5, 6],
    [4, 5, 6, 7, 0, 1, 2, 3, 4, 5],
    [5, 6, 7, 0, 1, 2],
    [6, 7, 0, 1, 2, 3, 4, 5, 6, 7, 0, 1, 2, 3],
    [7, 0],
]
_L = 16
_P = len(_CRITERIA_TO_HEAD)
_H = 8

_LEN_NP = np.array([len(m) for m in _CRITERIA_TO_HEAD], dtype=np.int32)
_HM_NP = np.zeros((_P, _L), dtype=np.int32)
for _i, _m in enumerate(_CRITERIA_TO_HEAD):
    _HM_NP[_i, : len(_m)] = np.array(_m, dtype=np.int32)
_ONEHOT_NP = (_HM_NP.reshape(-1, 1) == np.arange(_H)[None, :]).astype(np.float32)
_NEGINF_NP = np.where(
    np.arange(_L)[None, :] < _LEN_NP[:, None], 0.0, -1e30
).astype(np.float32).reshape(-1)

_NC, _NS, _LANES = 2, 16, 16
_NW = _NC * _NS


def _mm_body(x_ref, cf_ref, b_ref, wt_ref, oh_ref, ninf_ref, hm_ref,
             e_ref, c2_ref):
    wt = wt_ref[...]
    e_ref[...] = jnp.dot(x_ref[...], wt, preferred_element_type=jnp.float32)

    @pl.when(pl.program_id(0) == 0)
    def _():
        cw = jnp.dot(cf_ref[...], wt, preferred_element_type=jnp.float32)
        onehot = oh_ref[...]
        bsel = jnp.sum(onehot * b_ref[...], axis=1)
        c2 = jnp.sum(cw * onehot, axis=1) + bsel + ninf_ref[0, :]
        ci = lax.bitcast_convert_type(c2.reshape(1, _P * _L), jnp.int32)
        c2_ref[...] = (ci & jnp.int32(-8)) | hm_ref[...]


def _scores_matmul(emb, crit_flat, b_row, wt):
    rows, d = emb.shape
    h = wt.shape[1]
    blk = 1024
    grid = rows // blk
    return pl.pallas_call(
        _mm_body,
        grid=(grid,),
        in_specs=[
            pl.BlockSpec((blk, d), lambda i: (i, 0)),
            pl.BlockSpec((_P * _L, d), lambda i: (0, 0)),
            pl.BlockSpec((1, _H), lambda i: (0, 0)),
            pl.BlockSpec((d, h), lambda i: (0, 0)),
            pl.BlockSpec((_P * _L, _H), lambda i: (0, 0)),
            pl.BlockSpec((1, _P * _L), lambda i: (0, 0)),
            pl.BlockSpec((1, _P * _L), lambda i: (0, 0)),
        ],
        out_specs=[
            pl.BlockSpec((blk, h), lambda i: (i, 0)),
            pl.BlockSpec((1, _P * _L), lambda i: (0, 0)),
        ],
        out_shape=[
            jax.ShapeDtypeStruct((rows, h), jnp.float32),
            jax.ShapeDtypeStruct((1, _P * _L), jnp.int32),
        ],
    )(emb, crit_flat, b_row, wt,
      jnp.asarray(_ONEHOT_NP), jnp.asarray(_NEGINF_NP).reshape(1, _P * _L),
      jnp.asarray(_HM_NP.reshape(1, _P * _L)))


def _make_sc_route(batch):
    ipw = batch // _NW
    mesh = plsc.VectorSubcoreMesh(
        core_axis_name="c", subcore_axis_name="s",
        num_cores=_NC, num_subcores=_NS,
    )

    @functools.partial(
        pl.kernel,
        mesh=mesh,
        compiler_params=pltpu.CompilerParams(
            needs_layout_passes=False,
            skip_device_barrier=True,
            disable_bounds_checks=True,
        ),
        out_type=(
            jax.ShapeDtypeStruct((batch * _L,), jnp.float32),
            jax.ShapeDtypeStruct((batch * _L,), jnp.float32),
        ),
        scratch_types=(
            pltpu.VMEM((ipw * _H,), jnp.float32),
            pltpu.VMEM((ipw,), jnp.int32),
            pltpu.VMEM((_P * _L,), jnp.int32),
            pltpu.VMEM((ipw * _L,), jnp.float32),
            pltpu.VMEM((ipw * _L,), jnp.float32),
            pltpu.SemaphoreType.DMA,
            pltpu.SemaphoreType.DMA,
            pltpu.SemaphoreType.DMA,
        ),
    )
    def route(e_hbm, p_hbm, c2_hbm,
              out_hbm, mask_hbm,
              e_v, p_v, c2_v, out_v, mask_v, s0, s1, s2):
        wid = lax.axis_index("s") * _NC + lax.axis_index("c")
        base = wid * ipw
        d0 = pltpu.async_copy(e_hbm.at[pl.ds(base * _H, ipw * _H)], e_v, s0)
        d1 = pltpu.async_copy(p_hbm.at[pl.ds(base, ipw)], p_v, s1)
        d2 = pltpu.async_copy(c2_hbm, c2_v, s2)
        d0.wait()
        d1.wait()
        d2.wait()

        iota = lax.iota(jnp.int32, _LANES)

        @plsc.parallel_loop(0, ipw, 1, unroll=16)
        def item(i):
            ivec = jnp.full((_LANES,), i, jnp.int32)
            pv = plsc.load_gather(p_v, [ivec])
            packed = plsc.load_gather(c2_v, [pv * _L + iota])
            hm_row = packed & jnp.int32(7)
            c2row = plsc.bitcast(packed & jnp.int32(-8), jnp.float32)
            e_row = plsc.load_gather(e_v, [ivec * _H + hm_row])
            pred = 1.0 / (1.0 + jnp.exp(-(e_row + c2row)))
            out_v[pl.ds(i * _L, _L)] = pred
            mask_v[pl.ds(i * _L, _L)] = jnp.where(
                c2row > -1e29, jnp.float32(1.0), jnp.float32(0.0))

        o0 = pltpu.async_copy(out_v, out_hbm.at[pl.ds(base * _L, ipw * _L)], s0)
        o1 = pltpu.async_copy(mask_v, mask_hbm.at[pl.ds(base * _L, ipw * _L)], s1)
        o0.wait()
        o1.wait()

    return route


def kernel(embedding, criteria, W, b, problem_indices):
    batch, d = embedding.shape
    crit_flat = criteria.reshape(_P * _L, d)
    e_scores, c2 = _scores_matmul(
        embedding, crit_flat, b.reshape(1, _H).astype(jnp.float32), W.T)

    route = _make_sc_route(batch)
    out_flat, mask_flat = route(
        e_scores.reshape(-1), problem_indices, c2.reshape(-1))
    return out_flat.reshape(batch, _L), mask_flat.reshape(batch, _L)

# --- scband reference (transcript-rebuilt; emitter-appended) ---
"""Pipeline reference for scband-multi-domain-multi-criteria-classifier-68350109548839 (READ-ONLY COPY).

The authoritative reference and input builder live on the scoring server;
editing this copy changes nothing except your own understanding.
"""

import jax, jax.numpy as jnp
import numpy as np

CRITERIA_TO_HEAD_MAPPING = [[0,1,2,3,4,5,6,7,0,1,2,3],[1,2,3,4,5,6,7,0],[2,3,4,5,6,7,0,1,2,3,4,5,6,7,0,1],[3,4,5,6],[4,5,6,7,0,1,2,3,4,5],[5,6,7,0,1,2],[6,7,0,1,2,3,4,5,6,7,0,1,2,3],[7,0]]
OUTPUT_LENGTH = 16
NUM_PROBLEMS = len(CRITERIA_TO_HEAD_MAPPING)
LENGTHS = np.array([len(m) for m in CRITERIA_TO_HEAD_MAPPING], dtype=np.int32)
HEAD_MAP = np.zeros((NUM_PROBLEMS, OUTPUT_LENGTH), dtype=np.int32)
for _i, _m in enumerate(CRITERIA_TO_HEAD_MAPPING):
    HEAD_MAP[_i, :len(_m)] = np.array(_m, dtype=np.int32)


def setup_inputs(seed: int = 0) -> dict:
    key = jax.random.key(seed)
    k1, k2, k3, k4 = jax.random.split(key, 4)
    B, D, P, L, H = 4096, 768, NUM_PROBLEMS, OUTPUT_LENGTH, 8
    embedding = jax.random.normal(k1, (B, D), dtype=jnp.float32)
    problem_indices = jax.random.randint(k2, (B,), 0, P, dtype=jnp.int32)
    criteria = jax.random.normal(k3, (P, L, D), dtype=jnp.float32)
    # learned parameters: 8 classification heads, each Linear(D, 1) -> weight [D], bias scalar
    W = jax.random.normal(k4, (H, D), dtype=jnp.float32) * 0.02
    b = jnp.zeros((H,), dtype=jnp.float32)
    return {"embedding": embedding, "criteria": criteria, "W": W, "b": b, "problem_indices": problem_indices}


def reference(embedding, criteria, W, b, problem_indices):
    # Vectorized but faithful translation of the per-item Python loop:
    # for each batch item i with problem p = problem_indices[i], for each criterion slot j
    # (j < len(criteria_to_head_mapping[p])): combined = embedding[i] + criteria[p, j];
    # pred = sigmoid(head[head_idx](combined)); padded into [B, output_length] with mask.
    head_map = jnp.asarray(HEAD_MAP)      # [P, L] int
    lengths = jnp.asarray(LENGTHS)        # [P] int
    p = problem_indices                   # [B]
    crit = jnp.take(criteria, p, axis=0)  # [B, L, D]  gather by problem
    combined = embedding[:, None, :] + crit  # [B, L, D]
    hidx = jnp.take(head_map, p, axis=0)  # [B, L] head routing indices
    Wh = jnp.take(W, hidx, axis=0)        # [B, L, D] gather head weights
    bh = jnp.take(b, hidx, axis=0)        # [B, L]
    logits = jnp.sum(combined * Wh, axis=-1) + bh  # [B, L]
    preds = jax.nn.sigmoid(logits)
    valid = (jnp.arange(OUTPUT_LENGTH)[None, :] < jnp.take(lengths, p)[:, None]).astype(jnp.float32)  # [B, L]
    padded_outputs = preds * valid
    mask = valid
    return padded_outputs, mask

if __name__ == "__main__":
    import jax
    _d = setup_inputs()
    print(jax.jit(kernel)(*tuple(_d.values())))

</pallas_src>

<mosaic_0001>
#map = affine_map<(d0, d1) -> (0)>
module attributes {stable_mosaic.version = 14 : i64} {
  func.func @route(%arg0: i32, %arg1: i32, %arg2: memref<32768xf32, #tpu.memory_space<hbm>>, %arg3: memref<4096xi32, #tpu.memory_space<hbm>>, %arg4: memref<128xi32, #tpu.memory_space<hbm>>, %arg5: memref<65536xf32, #tpu.memory_space<hbm>>, %arg6: memref<65536xf32, #tpu.memory_space<hbm>>, %arg7: memref<1024xf32, #tpu.memory_space<vmem>>, %arg8: memref<128xi32, #tpu.memory_space<vmem>>, %arg9: memref<128xi32, #tpu.memory_space<vmem>>, %arg10: memref<2048xf32, #tpu.memory_space<vmem>>, %arg11: memref<2048xf32, #tpu.memory_space<vmem>>, %arg12: memref<!tpu.dma_semaphore, #tpu.memory_space<semaphore_mem>>, %arg13: memref<!tpu.dma_semaphore, #tpu.memory_space<semaphore_mem>>, %arg14: memref<!tpu.dma_semaphore, #tpu.memory_space<semaphore_mem>>) attributes {dimension_semantics = [#tpu.dimension_semantics<core_parallel>, #tpu.dimension_semantics<subcore_parallel>], iteration_bounds = array<i64: 2, 16>, scalar_prefetch = 0 : i64, scratch_operands = 8 : i64, tpu.core_type = #tpu.core_type<sc_vector_subcore>, window_params = [{transform_indices = #map}, {transform_indices = #map}, {transform_indices = #map}, {transform_indices = #map}, {transform_indices = #map}]} {
    %mul3A = arith.constant 2 : i32
    %mul3A_0 = arith.muli %arg1, %mul3A : i32
    %add3A = arith.addi %mul3A_0, %arg0 : i32
    %mul3A_1 = arith.constant 128 : i32
    %mul3A_2 = arith.muli %add3A, %mul3A_1 : i32
    %mul3A_3 = arith.constant 8 : i32
    %mul3A_4 = arith.muli %mul3A_2, %mul3A_3 : i32
    %dma_start3A = tpu.memref_slice %arg2[%mul3A_4] : memref<32768xf32, #tpu.memory_space<hbm>> -> memref<1024xf32, #tpu.memory_space<hbm>>
    %dma_start3A_5 = tpu.memref_slice %arg2[%mul3A_4] : memref<32768xf32, #tpu.memory_space<hbm>> -> memref<1024xf32, #tpu.memory_space<hbm>>
    tpu.enqueue_dma source(%dma_start3A_5 : memref<1024xf32, #tpu.memory_space<hbm>>) target(%arg7 : memref<1024xf32, #tpu.memory_space<vmem>>) target_semaphore(%arg12 : memref<!tpu.dma_semaphore, #tpu.memory_space<semaphore_mem>>)
    %dma_start3A_6 = tpu.memref_slice %arg3[%mul3A_2] : memref<4096xi32, #tpu.memory_space<hbm>> -> memref<128xi32, #tpu.memory_space<hbm>>
    %dma_start3A_7 = tpu.memref_slice %arg3[%mul3A_2] : memref<4096xi32, #tpu.memory_space<hbm>> -> memref<128xi32, #tpu.memory_space<hbm>>
    tpu.enqueue_dma source(%dma_start3A_7 : memref<128xi32, #tpu.memory_space<hbm>>) target(%arg8 : memref<128xi32, #tpu.memory_space<vmem>>) target_semaphore(%arg13 : memref<!tpu.dma_semaphore, #tpu.memory_space<semaphore_mem>>)
    tpu.enqueue_dma source(%arg4 : memref<128xi32, #tpu.memory_space<hbm>>) target(%arg9 : memref<128xi32, #tpu.memory_space<vmem>>) target_semaphore(%arg14 : memref<!tpu.dma_semaphore, #tpu.memory_space<semaphore_mem>>)
    %dma_wait3A = tpu.memref_slice %arg2[%mul3A_4] : memref<32768xf32, #tpu.memory_space<hbm>> -> memref<1024xf32, #tpu.memory_space<hbm>>
    %dma_wait3A_8 = tpu.memref_slice %arg2[%mul3A_4] : memref<32768xf32, #tpu.memory_space<hbm>> -> memref<1024xf32, #tpu.memory_space<hbm>>
    tpu.wait_dma2 semaphore(%arg12 : memref<!tpu.dma_semaphore, #tpu.memory_space<semaphore_mem>>) src(%dma_wait3A_8 : memref<1024xf32, #tpu.memory_space<hbm>>) dst(%arg7 : memref<1024xf32, #tpu.memory_space<vmem>>)
    %dma_wait3A_9 = tpu.memref_slice %arg3[%mul3A_2] : memref<4096xi32, #tpu.memory_space<hbm>> -> memref<128xi32, #tpu.memory_space<hbm>>
    %dma_wait3A_10 = tpu.memref_slice %arg3[%mul3A_2] : memref<4096xi32, #tpu.memory_space<hbm>> -> memref<128xi32, #tpu.memory_space<hbm>>
    tpu.wait_dma2 semaphore(%arg13 : memref<!tpu.dma_semaphore, #tpu.memory_space<semaphore_mem>>) src(%dma_wait3A_10 : memref<128xi32, #tpu.memory_space<hbm>>) dst(%arg8 : memref<128xi32, #tpu.memory_space<vmem>>)
    tpu.wait_dma2 semaphore(%arg14 : memref<!tpu.dma_semaphore, #tpu.memory_space<semaphore_mem>>) src(%arg4 : memref<128xi32, #tpu.memory_space<hbm>>) dst(%arg9 : memref<128xi32, #tpu.memory_space<vmem>>)
    %iota3A = tpu.iota {dimensions = array<i32: 0>} : vector<16xi32>
    %parallel_loop3A = arith.constant 0 : i32
    %parallel_loop3A_11 = arith.constant 128 : i32
    %parallel_loop3A_12 = arith.constant 1 : i32
    scf.for %parallel_loop3A_25 = %parallel_loop3A to %parallel_loop3A_11 step %parallel_loop3A_12  : i32 {
      %parallel_loop3A_26 = vector.broadcast %parallel_loop3A_25 : i32 to vector<16xi32>
      %parallel_loop3A_27 = tpu.vector_load_idx %arg8[%parallel_loop3A_26] : memref<128xi32, #tpu.memory_space<vmem>>[vector<16xi32>], vector<16xi32>,
      %parallel_loop3A_28 = arith.constant 16 : i32
      %parallel_loop3A_29 = vector.broadcast %parallel_loop3A_28 : i32 to vector<16xi32>
      %parallel_loop3A_30 = arith.muli %parallel_loop3A_27, %parallel_loop3A_29 : vector<16xi32>
      %parallel_loop3A_31 = arith.addi %parallel_loop3A_30, %iota3A : vector<16xi32>
      %parallel_loop3A_32 = tpu.vector_load_idx %arg9[%parallel_loop3A_31] : memref<128xi32, #tpu.memory_space<vmem>>[vector<16xi32>], vector<16xi32>,
      %parallel_loop3A_33 = arith.constant 7 : i32
      %parallel_loop3A_34 = vector.broadcast %parallel_loop3A_33 : i32 to vector<16xi32>
      %parallel_loop3A_35 = arith.andi %parallel_loop3A_32, %parallel_loop3A_34 : vector<16xi32>
      %parallel_loop3A_36 = arith.constant -8 : i32
      %parallel_loop3A_37 = vector.broadcast %parallel_loop3A_36 : i32 to vector<16xi32>
      %parallel_loop3A_38 = arith.andi %parallel_loop3A_32, %parallel_loop3A_37 : vector<16xi32>
      %parallel_loop3A_39 = vector.bitcast %parallel_loop3A_38 : vector<16xi32> to vector<16xf32>
      %parallel_loop3A_40 = arith.constant 8 : i32
      %parallel_loop3A_41 = vector.broadcast %parallel_loop3A_40 : i32 to vector<16xi32>
      %parallel_loop3A_42 = arith.muli %parallel_loop3A_26, %parallel_loop3A_41 : vector<16xi32>
      %parallel_loop3A_43 = arith.addi %parallel_loop3A_42, %parallel_loop3A_35 : vector<16xi32>
      %parallel_loop3A_44 = tpu.vector_load_idx %arg7[%parallel_loop3A_43] : memref<1024xf32, #tpu.memory_space<vmem>>[vector<16xi32>], vector<16xf32>,
      %parallel_loop3A_45 = arith.addf %parallel_loop3A_44, %parallel_loop3A_39 : vector<16xf32>
      %parallel_loop3A_46 = arith.constant 0.000000e+00 : f32
      %parallel_loop3A_47 = vector.broadcast %parallel_loop3A_46 : f32 to vector<16xf32>
      %parallel_loop3A_48 = arith.subf %parallel_loop3A_47, %parallel_loop3A_45 : vector<16xf32>
      %parallel_loop3A_49 = math.exp %parallel_loop3A_48 : vector<16xf32>
      %parallel_loop3A_50 = arith.constant 1.000000e+00 : f32
      %parallel_loop3A_51 = vector.broadcast %parallel_loop3A_50 : f32 to vector<16xf32>
      %parallel_loop3A_52 = arith.addf %parallel_loop3A_51, %parallel_loop3A_49 : vector<16xf32>
      %parallel_loop3A_53 = arith.constant 1.000000e+00 : f32
      %parallel_loop3A_54 = vector.broadcast %parallel_loop3A_53 : f32 to vector<16xf32>
      %parallel_loop3A_55 = arith.divf %parallel_loop3A_54, %parallel_loop3A_52 : vector<16xf32>
      %parallel_loop3A_56 = arith.constant 16 : i32
      %parallel_loop3A_57 = arith.muli %parallel_loop3A_25, %parallel_loop3A_56 : i32
      %parallel_loop3A_58 = arith.index_cast %parallel_loop3A_57 : i32 to index
      %parallel_loop3A_59 = tpu.vector_load %arg10[%parallel_loop3A_58] {strides = array<i32>} : memref<2048xf32, #tpu.memory_space<vmem>>, vector<16xf32>,
      tpu.vector_store %arg10[%parallel_loop3A_58], %parallel_loop3A_55 {strides = array<i32>} : memref<2048xf32, #tpu.memory_space<vmem>>, vector<16xf32>,
      %parallel_loop3A_60 = arith.constant -1.000000e+29 : f32
      %parallel_loop3A_61 = vector.broadcast %parallel_loop3A_60 : f32 to vector<16xf32>
      %parallel_loop3A_62 = arith.cmpf ogt, %parallel_loop3A_39, %parallel_loop3A_61 : vector<16xf32>
      %parallel_loop3A_63 = arith.constant 1.000000e+00 : f32
      %parallel_loop3A_64 = arith.constant 0.000000e+00 : f32
      %parallel_loop3A_65 = vector.broadcast %parallel_loop3A_63 : f32 to vector<16xf32>
      %parallel_loop3A_66 = vector.broadcast %parallel_loop3A_64 : f32 to vector<16xf32>
      %parallel_loop3A_67 = arith.select %parallel_loop3A_62, %parallel_loop3A_65, %parallel_loop3A_66 : vector<16xi1>, vector<16xf32>
      %parallel_loop3A_68 = arith.constant 16 : i32
      %parallel_loop3A_69 = arith.muli %parallel_loop3A_25, %parallel_loop3A_68 : i32
      %parallel_loop3A_70 = arith.index_cast %parallel_loop3A_69 : i32 to index
      %parallel_loop3A_71 = tpu.vector_load %arg11[%parallel_loop3A_70] {strides = array<i32>} : memref<2048xf32, #tpu.memory_space<vmem>>, vector<16xf32>,
      tpu.vector_store %arg11[%parallel_loop3A_70], %parallel_loop3A_67 {strides = array<i32>} : memref<2048xf32, #tpu.memory_space<vmem>>, vector<16xf32>,
    } {sc.loop_unroll_factor = 16 : i64, sc.parallel_access}
    %mul3A_13 = arith.constant 16 : i32
    %mul3A_14 = arith.muli %mul3A_2, %mul3A_13 : i32
    %dma_start3A_15 = tpu.memref_slice %arg5[%mul3A_14] : memref<65536xf32, #tpu.memory_space<hbm>> -> memref<2048xf32, #tpu.memory_space<hbm>>
    %dma_start3A_16 = tpu.memref_slice %arg5[%mul3A_14] : memref<65536xf32, #tpu.memory_space<hbm>> -> memref<2048xf32, #tpu.memory_space<hbm>>
    tpu.enqueue_dma source(%arg10 : memref<2048xf32, #tpu.memory_space<vmem>>) target(%dma_start3A_16 : memref<2048xf32, #tpu.memory_space<hbm>>) target_semaphore(%arg12 : memref<!tpu.dma_semaphore, #tpu.memory_space<semaphore_mem>>)
    %mul3A_17 = arith.constant 16 : i32
    %mul3A_18 = arith.muli %mul3A_2, %mul3A_17 : i32
    %dma_start3A_19 = tpu.memref_slice %arg6[%mul3A_18] : memref<65536xf32, #tpu.memory_space<hbm>> -> memref<2048xf32, #tpu.memory_space<hbm>>
    %dma_start3A_20 = tpu.memref_slice %arg6[%mul3A_18] : memref<65536xf32, #tpu.memory_space<hbm>> -> memref<2048xf32, #tpu.memory_space<hbm>>
    tpu.enqueue_dma source(%arg11 : memref<2048xf32, #tpu.memory_space<vmem>>) target(%dma_start3A_20 : memref<2048xf32, #tpu.memory_space<hbm>>) target_semaphore(%arg13 : memref<!tpu.dma_semaphore, #tpu.memory_space<semaphore_mem>>)
    %dma_wait3A_21 = tpu.memref_slice %arg5[%mul3A_14] : memref<65536xf32, #tpu.memory_space<hbm>> -> memref<2048xf32, #tpu.memory_space<hbm>>
    %dma_wait3A_22 = tpu.memref_slice %arg5[%mul3A_14] : memref<65536xf32, #tpu.memory_space<hbm>> -> memref<2048xf32, #tpu.memory_space<hbm>>
    tpu.wait_dma2 semaphore(%arg12 : memref<!tpu.dma_semaphore, #tpu.memory_space<semaphore_mem>>) src(%arg10 : memref<2048xf32, #tpu.memory_space<vmem>>) dst(%dma_wait3A_22 : memref<2048xf32, #tpu.memory_space<hbm>>)
    %dma_wait3A_23 = tpu.memref_slice %arg6[%mul3A_18] : memref<65536xf32, #tpu.memory_space<hbm>> -> memref<2048xf32, #tpu.memory_space<hbm>>
    %dma_wait3A_24 = tpu.memref_slice %arg6[%mul3A_18] : memref<65536xf32, #tpu.memory_space<hbm>> -> memref<2048xf32, #tpu.memory_space<hbm>>
    tpu.wait_dma2 semaphore(%arg13 : memref<!tpu.dma_semaphore, #tpu.memory_space<semaphore_mem>>) src(%arg11 : memref<2048xf32, #tpu.memory_space<vmem>>) dst(%dma_wait3A_24 : memref<2048xf32, #tpu.memory_space<hbm>>)
    return
  }
}

module attributes {stable_mosaic.version = 14 : i64} {
  func.func @_mm_body(%arg0: i32, %arg1: memref<1024x768xf32, #tpu.memory_space<vmem>>, %arg2: memref<128x768xf32, #tpu.memory_space<vmem>>, %arg3: memref<1x8xf32, #tpu.memory_space<vmem>>, %arg4: memref<768x8xf32, #tpu.memory_space<vmem>>, %arg5: memref<128x8xf32, #tpu.memory_space<vmem>>, %arg6: memref<1x128xf32, #tpu.memory_space<vmem>>, %arg7: memref<1x128xi32, #tpu.memory_space<vmem>>, %arg8: memref<1024x8xf32, #tpu.memory_space<vmem>>, %arg9: memref<1x128xi32, #tpu.memory_space<vmem>>) attributes {dimension_semantics = [#tpu.dimension_semantics<arbitrary>], iteration_bounds = array<i64: 4>, scalar_prefetch = 0 : i64, scratch_operands = 0 : i64, tpu.core_type = #tpu.core_type<tc>, window_params = [{transform_indices = @transform_0, window_bounds = array<i64: 1024, 768>}, {pipeline_mode = #tpu.pipeline_mode<synchronous>, transform_indices = @transform_1, window_bounds = array<i64: 128, 768>}, {pipeline_mode = #tpu.pipeline_mode<synchronous>, transform_indices = @transform_2, window_bounds = array<i64: 1, 8>}, {pipeline_mode = #tpu.pipeline_mode<synchronous>, transform_indices = @transform_3, window_bounds = array<i64: 768, 8>}, {pipeline_mode = #tpu.pipeline_mode<synchronous>, transform_indices = @transform_4, window_bounds = array<i64: 128, 8>}, {pipeline_mode = #tpu.pipeline_mode<synchronous>, transform_indices = @transform_5, window_bounds = array<i64: 1, 128>}, {pipeline_mode = #tpu.pipeline_mode<synchronous>, transform_indices = @transform_6, window_bounds = array<i64: 1, 128>}, {transform_indices = @transform_7, window_bounds = array<i64: 1024, 8>}, {pipeline_mode = #tpu.pipeline_mode<synchronous>, transform_indices = @transform_8, window_bounds = array<i64: 1, 128>}]} {
    %get3A = arith.constant 0 : index
    %get3A_0 = arith.constant 0 : index
    %get3A_1 = vector.load %arg4[%get3A, %get3A_0] : memref<768x8xf32, #tpu.memory_space<vmem>>, vector<768x8xf32>
    %get3A_2 = arith.constant 0 : index
    %get3A_3 = arith.constant 0 : index
    %get3A_4 = vector.load %arg1[%get3A_2, %get3A_3] : memref<1024x768xf32, #tpu.memory_space<vmem>>, vector<1024x768xf32>
    %dot_general3A = arith.constant dense<0.000000e+00> : vector<1024x8xf32>
    %dot_general3A_5 = tpu.matmul %get3A_4, %get3A_1, %dot_general3A {dimension_numbers = #tpu.dot_dimension_numbers<[1], [0], [0], [1], [0, 0, 1, 1], [], []>, transpose_lhs_hint = false} : vector<1024x768xf32>, vector<768x8xf32>, vector<1024x8xf32> -> vector<1024x8xf32>
    %swap3A = arith.constant 0 : index
    %swap3A_6 = arith.constant 0 : index
    %swap3A_7 = vector.load %arg8[%swap3A, %swap3A_6] : memref<1024x8xf32, #tpu.memory_space<vmem>>, vector<1024x8xf32>
    tpu.vector_store %arg8[%swap3A, %swap3A_6], %dot_general3A_5 {strides = array<i32>} : memref<1024x8xf32, #tpu.memory_space<vmem>>, vector<1024x8xf32>,
    %eq3A = arith.constant 0 : i32
    %eq3A_8 = arith.cmpi eq, %arg0, %eq3A : i32
    %convert_element_type3A = arith.extui %eq3A_8 : i1 to i32
    %cond3A = arith.constant 0 : i32
    %cond3A_9 = arith.cmpi ne, %convert_element_type3A, %cond3A : i32
    scf.if %cond3A_9 {
      %get3A_10 = arith.constant 0 : index
      %get3A_11 = arith.constant 0 : index
      %get3A_12 = vector.load %arg2[%get3A_10, %get3A_11] : memref<128x768xf32, #tpu.memory_space<vmem>>, vector<128x768xf32>
      %dot_general3A_13 = arith.constant dense<0.000000e+00> : vector<128x8xf32>
      %dot_general3A_14 = tpu.matmul %get3A_12, %get3A_1, %dot_general3A_13 {dimension_numbers = #tpu.dot_dimension_numbers<[1], [0], [0], [1], [0, 0, 1, 1], [], []>, transpose_lhs_hint = false} : vector<128x768xf32>, vector<768x8xf32>, vector<128x8xf32> -> vector<128x8xf32>
      %get3A_15 = arith.constant 0 : index
      %get3A_16 = arith.constant 0 : index
      %get3A_17 = vector.load %arg5[%get3A_15, %get3A_16] : memref<128x8xf32, #tpu.memory_space<vmem>>, vector<128x8xf32>
      %get3A_18 = arith.constant 0 : index
      %get3A_19 = arith.constant 0 : index
      %get3A_20 = vector.load %arg3[%get3A_18, %get3A_19] : memref<1x8xf32, #tpu.memory_space<vmem>>, vector<1x8xf32>
      %mul3A = vector.broadcast %get3A_20 : vector<1x8xf32> to vector<128x8xf32>
      %mul3A_21 = arith.mulf %get3A_17, %mul3A : vector<128x8xf32>
      %reduce_sum3A = arith.constant dense<0.000000e+00> : vector<128xf32>
      %reduce_sum3A_22 = vector.multi_reduction <add>, %mul3A_21, %reduce_sum3A [1] : vector<128x8xf32> to vector<128xf32>
      %mul3A_23 = arith.mulf %dot_general3A_14, %get3A_17 : vector<128x8xf32>
      %reduce_sum3A_24 = arith.constant dense<0.000000e+00> : vector<128xf32>
      %reduce_sum3A_25 = vector.multi_reduction <add>, %mul3A_23, %reduce_sum3A_24 [1] : vector<128x8xf32> to vector<128xf32>
      %add3A = arith.addf %reduce_sum3A_25, %reduce_sum3A_22 : vector<128xf32>
      %get3A_26 = arith.constant 0 : index
      %get3A_27 = arith.constant 0 : index
      %get3A_28 = vector.load %arg6[%get3A_26, %get3A_27] : memref<1x128xf32, #tpu.memory_space<vmem>>, vector<1x128xf32>
      %get3A_29 = vector.shape_cast %get3A_28 : vector<1x128xf32> to vector<128xf32>
      %add3A_30 = arith.addf %add3A, %get3A_29 : vector<128xf32>
      %reshape3A = vector.shape_cast %add3A_30 : vector<128xf32> to vector<1x128xf32>
      %bitcast_convert_type3A = tpu.bitcast %reshape3A : vector<1x128xf32> -> vector<1x128xi32>
      %and3A = arith.constant -8 : i32
      %and3A_31 = vector.broadcast %and3A : i32 to vector<1x128xi32>
      %and3A_32 = arith.andi %bitcast_convert_type3A, %and3A_31 : vector<1x128xi32>
      %get3A_33 = arith.constant 0 : index
      %get3A_34 = arith.constant 0 : index
      %get3A_35 = vector.load %arg7[%get3A_33, %get3A_34] : memref<1x128xi32, #tpu.memory_space<vmem>>, vector<1x128xi32>
      %or3A = arith.ori %and3A_32, %get3A_35 : vector<1x128xi32>
      %swap3A_36 = arith.constant 0 : index
      %swap3A_37 = arith.constant 0 : index
      %swap3A_38 = vector.load %arg9[%swap3A_36, %swap3A_37] : memref<1x128xi32, #tpu.memory_space<vmem>>, vector<1x128xi32>
      tpu.vector_store %arg9[%swap3A_36, %swap3A_37], %or3A {strides = array<i32>} : memref<1x128xi32, #tpu.memory_space<vmem>>, vector<1x128xi32>,
    } else {
    }
    return
  }
  func.func @transform_0(%arg0: i32) -> (i32, i32) {
    %c0_i32 = arith.constant 0 : i32
    %c0_i32_0 = arith.constant 0 : i32
    return %arg0, %c0_i32 : i32, i32
  }
  func.func @transform_1(%arg0: i32) -> (i32, i32) {
    %c0_i32 = arith.constant 0 : i32
    %c0_i32_0 = arith.constant 0 : i32
    %c0_i32_1 = arith.constant 0 : i32
    return %c0_i32, %c0_i32_0 : i32, i32
  }
  func.func @transform_2(%arg0: i32) -> (i32, i32) {
    %c0_i32 = arith.constant 0 : i32
    %c0_i32_0 = arith.constant 0 : i32
    %c0_i32_1 = arith.constant 0 : i32
    return %c0_i32, %c0_i32_0 : i32, i32
  }
  func.func @transform_3(%arg0: i32) -> (i32, i32) {
    %c0_i32 = arith.constant 0 : i32
    %c0_i32_0 = arith.constant 0 : i32
    %c0_i32_1 = arith.constant 0 : i32
    return %c0_i32, %c0_i32_0 : i32, i32
  }
  func.func @transform_4(%arg0: i32) -> (i32, i32) {
    %c0_i32 = arith.constant 0 : i32
    %c0_i32_0 = arith.constant 0 : i32
    %c0_i32_1 = arith.constant 0 : i32
    return %c0_i32, %c0_i32_0 : i32, i32
  }
  func.func @transform_5(%arg0: i32) -> (i32, i32) {
    %c0_i32 = arith.constant 0 : i32
    %c0_i32_0 = arith.constant 0 : i32
    %c0_i32_1 = arith.constant 0 : i32
    return %c0_i32, %c0_i32_0 : i32, i32
  }
  func.func @transform_6(%arg0: i32) -> (i32, i32) {
    %c0_i32 = arith.constant 0 : i32
    %c0_i32_0 = arith.constant 0 : i32
    %c0_i32_1 = arith.constant 0 : i32
    return %c0_i32, %c0_i32_0 : i32, i32
  }
  func.func @transform_7(%arg0: i32) -> (i32, i32) {
    %c0_i32 = arith.constant 0 : i32
    %c0_i32_0 = arith.constant 0 : i32
    return %arg0, %c0_i32 : i32, i32
  }
  func.func @transform_8(%arg0: i32) -> (i32, i32) {
    %c0_i32 = arith.constant 0 : i32
    %c0_i32_0 = arith.constant 0 : i32
    %c0_i32_1 = arith.constant 0 : i32
    return %c0_i32, %c0_i32_0 : i32, i32
  }
}

</mosaic_0001>

<sc_bundles>
// kernel: kernel.4.cloned.1.call-start
scs
__scs_entry_jumppad:
0x0: {  	(pc) =	sbr.rel $0x88, $3  }
0x1: {  	(tag) =	ssettag $0x0;
	lr =	simm.s32 $0x1  }
0x2: {  	[smem:$0x3F9C] =	sst lr;
	_ =	strace $0xD0000000  }
0x3: {  	_ = 	snop  }
0x4: {  	_ = 	snop  }
0x5: {  	_ = 	snop  }
0x6: {  	_ = 	snop  }
0x7: {  	_ = 	snop  }
__scs_overlays_trampoline_lowered:
0x8: {  	[smem:$0x3FAB] =	sst s0  }
0x9: {  	[smem:$0x3FAC] =	sst s1  }
0xa: {  	[smem:$0x3FAD] =	sst s2  }
0xb: {  	[smem:$0x3FAE] =	sst s3  }
0xc: {  	[smem:$0x3FAF] =	sst s4  }
0xd: {  	[smem:$0x3FB0] =	sst s5  }
0xe: {  	[smem:$0x3FB1] =	sst s6  }
0xf: {  	[smem:$0x3FB2] =	sst s7  }
0x10: {  	[smem:$0x3FB3] =	sst s8  }
0x11: {  	[smem:$0x3FB4] =	sst s9;
	s0 =	simm.s32 @!p0 $0x0  }
0x12: {  	s1 =	sld [smem:$0x3F9A];
	s0 =	simm.s32 @p0 $0x1  }
0x13: {  	[smem:$0x3FB5] =	sst s0;
	s0 =	simm.s32 @!p1 $0x0  }
0x14: {  	s2 =	sld [smem:$0x3F99];
	s0 =	simm.s32 @p1 $0x1  }
0x15: {  	[smem:$0x3FB6] =	sst s0;
	s0 =	simm.s32 @!p2 $0x0  }
0x16: {  	s3 =	sld [smem:$0x3FDB];
	s0 =	simm.s32 @p2 $0x1  }
0x17: {  	s4 =	simm.s32 $0x1BF5;
	[smem:$0x3FB8] =	sst s0  }
0x18: {  	s0 =	sld [smem:$0x3F9B];
	_ =	swait.ge [sflag:s4], $0x0  }
0x19: {  	s7 =	sld [smem:$0x3F9C]  }
0x1a: {  	s8 =	sadd.s32 $0xFFFFE003, lr  }
0x1b: {  	s9 =	sadd.s32 $0xFFFFFEF7, lr;
	s5 =	simm.s32 $0xFFFFFFFF;
	p2 =	slt.u32 s8, $0xFFFFF086  }
0x1c: {  	p1 =	slt.u32 s9, $0xF7A;
	s5 =	simm.s32 @!p2 $0x0  }
0x1d: {  	s5 =	simm.s32 @p1 $0x1;
	p0 =	seq.s32 s7, s2  }
0x1e: {  	s7 =	smul.u32 @!p0 $0xF7A, s2;
	p2 =	seq.s32 @!p0 s5, $0x0  }
0x1f: {  	s9 =	smul.u32 $0xF7A, s1;
	s8 =	simm.s32 @!p0 $0x1BF5;
	p2 =	por !p2, p0  }
0x20: {  	[sflag:s8] =	ssyncset.s32 @!p0 $0xFFFFF086;
	s6 =	sadd.s32 @!p0 s3, s7;
	s7 =	simm.s32 @!p0 $0x108  }
0x21: {  	s3 =	sadd.s32 s3, s9;
	s6 =	sadd.s32 @!p0 $0x88, s6;
	s7 =	simm.s32 @p2 $0x1082  }
0x22: {  	[simem:s7], [sflag:s8] =	dma.local @!p0 [hbm:s6], $0xF7A  }
0x23: {  	s9 =	sor.u32 $0xD0000000, s2;
	s6 =	simm.s32 $0x108;
	_ =	swait.ge @!p0 [sflag:s8], $0x0  }
0x24: {  	s3 =	sadd.s32 $0x88, s3;
	s6 =	simm.s32 @!p1 $0x1082;
	[sflag:s4] =	ssyncset.s32 $0xFFFFF086  }
0x25: {  	[simem:s6], [sflag:s4] =	dma.local [hbm:s3], $0xF7A  }
0x26: {  	[smem:$0x3F9C] =	sst s1;
	(tag) =	ssettag s2;
	_ =	strace s9  }
0x27: {  	s1 =	sld [smem:$0x3FAC]  }
0x28: {  	s2 =	sld [smem:$0x3FAD]  }
0x29: {  	s4 =	sld [smem:$0x3FAF]  }
0x2a: {  	p0 =	seq.s32 s5, $0x0;
	s5 =	sld [smem:$0x3FB0]  }
0x2b: {  	s6 =	sld [smem:$0x3FB1]  }
0x2c: {  	s7 =	sld [smem:$0x3FB2]  }
0x2d: {  	s3 =	simm.s32 $0x108;
	s8 =	sld [smem:$0x3FB3]  }
0x2e: {  	s3 =	simm.s32 @!p0 $0x1082;
	s9 =	sld [smem:$0x3FB4]  }
0x2f: {  	lr =	sadd.s32 s0, s3;
	s0 =	sld [smem:$0x3FAB]  }
0x30: {  	s3 =	sld [smem:$0x3FAE]  }
0x31: {  	[smem:$0x3FB7] =	sst s10  }
0x32: {  	s10 =	sld [smem:$0x3FB5];
	_ =	sdelay $0x3  }
0x33: {  	p0 =	seq.s32 s10, $0x1;
	s10 =	sld [smem:$0x3FB7];
	_ =	sdelay $0x3  }
0x34: {  	[smem:$0x3FB7] =	sst s10  }
0x35: {  	s10 =	sld [smem:$0x3FB6];
	_ =	sdelay $0x3  }
0x36: {  	p1 =	seq.s32 s10, $0x1;
	s10 =	sld [smem:$0x3FB7];
	_ =	sdelay $0x3  }
0x37: {  	[smem:$0x3FB7] =	sst s10  }
0x38: {  	s10 =	sld [smem:$0x3FB8]  }
0x39: {  	_ = 	snop;
	(pc) =	sbr.ind lr, $3  }
0x3a: {  	_ = 	snop  }
0x3b: {  	_ = 	snop  }
0x3c: {  	p2 =	seq.s32 s10, $0x1;
	s10 =	sld [smem:$0x3FB7]  }
0x3d: {  	_ =	shalt  }
0x3e: {  	_ =	shalt  }
0x3f: {  	_ =	shalt  }
0x40: {  	_ =	shalt  }
0x41: {  	_ =	shalt  }
0x42: {  	_ =	shalt  }
0x43: {  	_ =	shalt  }
0x44: {  	_ =	shalt  }
0x45: {  	_ =	shalt  }
0x46: {  	_ =	shalt  }
0x47: {  	_ =	shalt  }
0x48: {  	_ =	shalt  }
0x49: {  	_ =	shalt  }
0x4a: {  	_ =	shalt  }
0x4b: {  	_ =	shalt  }
0x4c: {  	_ =	shalt  }
0x4d: {  	_ =	shalt  }
0x4e: {  	_ =	shalt  }
0x4f: {  	_ =	shalt  }
0x50: {  	_ =	shalt  }
0x51: {  	_ =	shalt  }
0x52: {  	_ =	shalt  }
0x53: {  	_ =	shalt  }
0x54: {  	_ =	shalt  }
0x55: {  	_ =	shalt  }
0x56: {  	_ =	shalt  }
0x57: {  	_ =	shalt  }
0x58: {  	_ =	shalt  }
0x59: {  	_ =	shalt  }
0x5a: {  	_ =	shalt  }
0x5b: {  	_ =	shalt  }
0x5c: {  	_ =	shalt  }
0x5d: {  	_ =	shalt  }
0x5e: {  	_ =	shalt  }
0x5f: {  	_ =	shalt  }
0x60: {  	_ =	shalt  }
0x61: {  	_ =	shalt  }
0x62: {  	_ =	shalt  }
0x63: {  	_ =	shalt  }
0x64: {  	_ =	shalt  }
0x65: {  	_ =	shalt  }
0x66: {  	_ =	shalt  }
0x67: {  	_ =	shalt  }
0x68: {  	_ =	shalt  }
0x69: {  	_ =	shalt  }
0x6a: {  	_ =	shalt  }
0x6b: {  	_ =	shalt  }
0x6c: {  	_ =	shalt  }
0x6d: {  	_ =	shalt  }
0x6e: {  	_ =	shalt  }
0x6f: {  	_ =	shalt  }
0x70: {  	_ =	shalt  }
0x71: {  	_ =	shalt  }
0x72: {  	_ =	shalt  }
0x73: {  	_ =	shalt  }
0x74: {  	_ =	shalt  }
0x75: {  	_ =	shalt  }
0x76: {  	_ =	shalt  }
0x77: {  	_ =	shalt  }
0x78: {  	_ =	shalt  }
0x79: {  	_ =	shalt  }
0x7a: {  	_ =	shalt  }
0x7b: {  	_ =	shalt  }
0x7c: {  	_ =	shalt  }
0x7d: {  	_ =	shalt  }
0x7e: {  	_ =	shalt  }
0x7f: {  	_ =	shalt  }
0x80: {  	_ =	shalt  }
0x81: {  	_ =	shalt  }
0x82: {  	_ =	shalt  }
0x83: {  	_ =	shalt  }
0x84: {  	_ =	shalt  }
0x85: {  	_ =	shalt  }
0x86: {  	_ =	shalt  }
0x87: {  	_ =	shalt  }
.Lfunc_end0:
.L_simem_size_0:
called_computation_lowered:
.L_overlay_start_0:
0x88: {  	s2 =	sld [smem:$0x3FD9]  }
0x89: {  	s3 =	sld [smem:$0x3FFE];
	_ =	sdelay $0x1  }
0x8a: {  	s1 =	srdreg.scid  }
0x8b: {  	s0 =	sand.u32 $0x1, s1  }
0x8c: {  	s14 =	sshll.u32 s0, $0xA;
	s2 =	sadd.s32 s3, s2  }
0x8d: {  	s2 =	sadd.s32 s2, s14  }
0x8e: {  	[smem:$0x3FC3] =	sst s2  }
0x8f: {  	_ = 	snop  }
0x90: {  	s2 =	sld [smem:$0x3FD0];
	_ =	sdelay $0x2  }
0x91: {  	s4 =	simm.s32 $0xA;
	s5 =	simm.s32 $0x10;
	s15 =	sld [smem:$0x3FC5]  }
0x92: {  	[smem:s5], [sflag:s4] =	dma.local [hbm:s2], $0x1  }
0x93: {  	_ =	swait.eq [sflag:s4], $0x1  }
0x94: {  	[sflag:s4] =	ssyncset.done $0x0  }
0x95: {  	s16 =	sld [smem:$0x10];
	[sflag:s4] =	ssyncadd.s32 $0xFFFFFFFF  }
0x96: {  	s17 =	sld [smem:$0x11];
	(tm) =	ssettm $0x1  }
0x97: {  	s18 =	sld [smem:$0x3FFB];
	_ =	sdelay $0x3  }
0x98: {  	_ =	strace s18  }
0x99: {  	s5 =	sld [smem:$0x3FFC];
	_ =	sdelay $0x3  }
0x9a: {  	_ =	strace s5  }
0x9b: {  	s5 =	sld [smem:$0x3FFD];
	_ =	sdelay $0x3  }
0x9c: {  	_ =	strace s5  }
0x9d: {  	_ =	strace $0x8FFFFFFF  }
0x9e: {  	s19 =	sld [smem:$0x3FDB];
	_ =	sdelay $0x1  }
0x9f: {  	s6 =	simm.s32 $_scs_section_size  }
0xa0: {  	s7 =	simm.s32 $_size__tile_overlayer_lowered;
	s8 =	simm.s32 $_tile_overlayer_lowered  }
0xa1: {  	s22 =	simm.s32 $0x1BFF;
	s21 =	sshll.u32 s8, $0x1;
	s5 =	sadd.s32 s6, s19  }
0xa2: {  	s9 =	simm.s32 $0x0;
	s20 =	sshll.u32 s7, $0x1;
	s7 =	sadd.s32 s21, s5  }
0xa3: {  	[timem:s9], [sflag:s22] =	dma.local [hbm:s7], s20  }
0xa4: {  	_ =	swait.ge [sflag:s22], s20  }
0xa5: {  	s6 =	ssub.s32 $0x0, s20;
	[sflag:s22] =	ssyncset.done $0x0  }
0xa6: {  	[sflag:s22] =	ssyncadd.s32 s6;
	_ =	sdelay $0x1  }
0xa7: {  	s23 =	simm.s32 $0x1B8B  }
0xa8: {  	_ =	swait.ge [sflag:s23], $0x1  }
0xa9: {  	[sflag:s23] =	ssyncset.done $0x0  }
0xaa: {  	s25 =	simm.s32 $0x1B8E;
	s24 =	sld [smem:$0x3FFE];
	[sflag:s23] =	ssyncadd.s32 $0xFFFFFFFF  }
0xab: {  	s26 =	simm.s32 $execute0_lowered;
	[smem:$0x3FD2] =	sst s25  }
0xac: {  	s7 =	sshll.u32 s26, $0x1;
	_ =	strace $0x80000046;
	[dreg:$0x1] =	wrdreg $0xFFFFFFFF  }
0xad: {  	s28 =	simm.s32 $_size_execute0_lowered;
	s5 =	sadd.s32 s5, s7;
	[dreg:$0x0] =	wrdreg $0x0  }
0xae: {  	s7 =	sshll.u32 s28, $0x1;
	[dreg:$0x2] =	wrdreg s5  }
0xaf: {  	[dreg:$0x3] =	wrdreg s7  }
0xb0: {  	[dreg:$0x4] =	wrdreg $0xC0  }
0xb1: {  	_ =	task [dreg:s9], $0x5FFFF  }
0xb2: {  	[dreg:$0x1] =	wrdreg $0xFFFFFFFF  }
0xb3: {  	[dreg:$0x0] =	wrdreg $0x60  }
0xb4: {  	[dreg:$0x2] =	wrdreg s16  }
0xb5: {  	[dreg:$0x3] =	wrdreg s15  }
0xb6: {  	[dreg:$0x4] =	wrdreg s24  }
0xb7: {  	[dreg:$0x5] =	wrdreg s17  }
0xb8: {  	[dreg:$0x6] =	wrdreg $0x9  }
0xb9: {  	_ =	task.clear_ibuf [dreg:s9], $0x7FFFF;
	_ =	strace $0x90000046  }
0xba: {  	s29 =	simm.s32 $0x9;
	_ =	strace $0x80000048  }
0xbb: {  	_ =	swait.ge [sflag:s29], $0x1  }
0xbc: {  	[sflag:s29] =	ssyncadd.s32 $0xFFFFFFFF  }
0xbd: {  	_ =	strace $0x90000048  }
0xbe: {  	_ =	sfence  }
0xbf: {  	s30 =	sld [smem:$0x0];
	_ =	sdelay $0x2  }
0xc0: {  	s31 =	sshll.u32 s1, $0xD;
	s1 =	sshrl.u32 s1, $0x2  }
0xc1: {  	s3 =	sand.u32 $0x4000, s31;
	s1 =	sadd.s32 s1, s30  }
0xc2: {  	s0 =	sor.u32 s3, s0;
	s1 =	sshll.u32 s1, $0x11  }
0xc3: {  	s0 =	sor.u32 s1, s0  }
0xc4: {  	s0 =	sadd.s32 $0x8F2B, s0  }
0xc5: {  	[sflag:s0] =	ssyncadd.remote.s32 $0x1  }
0xc6: {  	_ =	sfence.sel $0xFFFF  }
0xc7: {  	[dreg:$0x0] =	wrdreg $0xFFFFFFFF;
	(pc) =	sbr.abs _section_cstart, $3  }
0xc8: {  	[dreg:$0x1] =	wrdreg $0xFFFFFFFF  }
0xc9: {  	_ =	task.clear_ibuf [dreg:s9], $0x2FFFF;
	_ =	strace $0x9FFFFFFF  }
0xca: {  	(tm) =	ssettm $0x7FFFFFFF  }
0xcb: {  	_ =	shalt  }
tec
execute0_lowered:
.L_overlay_start_1:
0x0: {  	(tag) =	ssettag $0x1  }
0x1: {  	s4 =	rddreg [dreg:$0x0]  }
0x2: {  	s5 =	rddreg [dreg:$0x1]  }
0x3: {  	s6 =	rddreg [dreg:$0x2]  }
0x4: {  	s7 =	rddreg [dreg:$0x3]  }
0x5: {  	s0 =	rddreg [dreg:$0x4];
	s2 =	simm.s32 $0x0;
	s3 =	srdreg.scid  }
0x6: {  	s1 =	stileid.u32;
	s13 =	simm.s32 $0x3;
	s14 =	simm.s32 $0x500  }
0x7: {  	s15 =	simm.s32 $0xD00;
	s16 =	simm.s32 $0x0;
	[smem:$0x7FF] =	sst s2  }
0x8: {  	s8 =	sand.u32 $0x1, s3;
	s29 =	sshll.u32 s1, $0x1;
	s3 =	sadd.s32 $0x1A00, s6  }
0x9: {  	_ =	strace $0x80000047;
	s9 =	sor.u32 s8, s29;
	s8 =	ssub.s32 $0x2, s8  }
0xa: {  	s10 =	sshll.u32 s9, $0x8;
	s30 =	sshrl.u32 s8, $0x1;
	s12 =	sshll.u32 s9, $0x7  }
0xb: {  	s31 =	sshll.u32 s9, $0x4;
	s9 =	simm.s32 $0x400;
	s11 =	sadd.s32 s10, s6  }
0xc: {  	s8 =	ssub.s32 s8, s30;
	s4 =	sadd.s32 s4, s12;
	s5 =	sadd.s32 s5, s31  }
0xd: {  	s6 =	sadd.s32 s7, s10;
	s10 =	simm.s32 $0x480;
	s12 =	simm.s32 $0x2  }
0xe: {  	v0 =	vlaneseq.u32;
	v1 =	vimm.f32 $0.0e+00;
	s7 =	sadd.s32 $0x1C00, s11;
	s8 =	smax.u32 s8, $0x1;
	s11 =	simm.s32 $0x1  }
.LBB2_1:
0xf: {  	[tilespmem:s2], [sflag:$0x1] =	stream.linear.gather [hbm4b:s4+s2], $0x400, $0x38;
	[tilespmem:$0x1500] =	vst v63  }
0x10: {  	_ = 	snop  }
0x11: {  	[tilespmem:s9], [sflag:$0x2] =	stream.linear.gather [hbm4b:s5+s2], $0x80, $0x38;
	[tilespmem:$0x1500] =	vst v63  }
0x12: {  	_ = 	snop  }
0x13: {  	[tilespmem:s10], [sflag:$0x3] =	stream.linear.gather [hbm4b:s3+s2], $0x80, $0x38;
	[tilespmem:$0x1500] =	vst v63  }
0x14: {  	_ =	swait.ge [sflag:s11], $0x400  }
0x15: {  	[sflag:s11] =	ssyncset.done $0x0  }
0x16: {  	[sflag:s11] =	ssyncadd.s32 $0xFFFFFC00  }
0x17: {  	_ =	swait.ge [sflag:s12], $0x80  }
0x18: {  	v3 =	vmov s2;
	s17 =	simm.s32 $0x1;
	[sflag:s12] =	ssyncset.done $0x0  }
0x19: {  	s22 =	simm.s32 $0x2;
	v4 =	vmov s17;
	[sflag:s12] =	ssyncadd.s32 $0xFFFFFF80  }
0x1a: {  	s18 =	simm.s32 $0x3;
	v5 =	vmov s22;
	_ =	swait.ge [sflag:s13], $0x80  }
0x1b: {  	s23 =	simm.s32 $0x4;
	v6 =	vmov s18;
	[sflag:s13] =	ssyncset.done $0x0  }
0x1c: {  	s24 =	simm.s32 $0x5;
	v7 =	vmov s23;
	[sflag:s13] =	ssyncadd.s32 $0xFFFFFF80  }
0x1d: {  	s25 =	simm.s32 $0x6;
	v8 =	vmov s24;
	v2 =	vld.idx.msk [tilespmem:v3+s9+$0x0], $0xffff  }
0x1e: {  	s26 =	simm.s32 $0x7;
	v10 =	vmov s25;
	v9 =	vld.idx.msk [tilespmem:v4+s9+$0x0], $0xffff  }
0x1f: {  	s30 =	simm.s32 $0xF;
	v11 =	vmov s26;
	v12 =	vld.idx.msk [tilespmem:v5+s9+$0x0], $0xffff  }
0x20: {  	s28 =	simm.s32 $0x8;
	v18 =	vmov s30;
	v13 =	vld.idx.msk [tilespmem:v6+s9+$0x0], $0xffff  }
0x21: {  	s29 =	simm.s32 $0x9;
	v14 =	vmov s28;
	v16 =	vld.idx.msk [tilespmem:v7+s9+$0x0], $0xffff  }
0x22: {  	s19 =	simm.s32 $0xC;
	v15 =	vmov s29;
	v17 =	vld.idx.msk [tilespmem:v8+s9+$0x0], $0xffff  }
0x23: {  	s20 =	simm.s32 $0xD;
	v24 =	vmov s19;
	v20 =	vld.idx.msk [tilespmem:v10+s9+$0x0], $0xffff  }
0x24: {  	s31 =	simm.s32 $0xA;
	v26 =	vmov s20;
	v21 =	vld.idx.msk [tilespmem:v11+s9+$0x0], $0xffff  }
0x25: {  	s21 =	simm.s32 $0xE;
	v19 =	vmov s31;
	v28 =	vld.idx.msk [tilespmem:v18+s9+$0x0], $0xffff  }
0x26: {  	s18 =	simm.s32 $0xB;
	v27 =	vmov s21;
	v23 =	vld.idx.msk [tilespmem:v14+s9+$0x0], $0xffff  }
0x27: {  	v22 =	vmov s18;
	v25 =	vld.idx.msk [tilespmem:v15+s9+$0x0], $0xffff;
	v2 =	vshll.u32 v2, $0x4  }
0x28: {  	v32 =	vld.idx.msk [tilespmem:v24+s9+$0x0], $0xffff;
	v13 =	vshll.u32 v13, $0x4;
	v29 =	vor.u32 v0, v2  }
0x29: {  	v34 =	vshll.u32 v3, $0x3;
	v33 =	vld.idx.msk [tilespmem:v26+s9+$0x0], $0xffff;
	v16 =	vshll.u32 v16, $0x4;
	v13 =	vor.u32 v0, v13  }
0x2a: {  	v28 =	vshll.u32 v28, $0x4;
	v2 =	vshll.u32 v9, $0x4;
	v9 =	vld.idx.msk [tilespmem:v19+s9+$0x0], $0xffff;
	v3 =	vor.u32 v0, v16  }
0x2b: {  	v21 =	vshll.u32 v21, $0x4;
	v16 =	vshll.u32 v17, $0x4;
	v17 =	vld.idx.msk [tilespmem:v27+s9+$0x0], $0xffff;
	v28 =	vor.u32 v0, v28  }
0x2c: {  	v21 =	vor.u32 v0, v21;
	v30 =	vor.u32 v0, v2;
	v2 =	vshll.u32 v12, $0x4;
	v12 =	vld.idx.msk [tilespmem:v22+s9+$0x0], $0xffff  }
0x2d: {  	v36 =	vshll.u32 v8, $0x3;
	v52 =	vshll.u32 v10, $0x3;
	v4 =	vshll.u32 v4, $0x3;
	v29 =	vld.idx.msk [tilespmem:v29+s10+$0x0], $0xffff  }
0x2e: {  	v5 =	vshll.u32 v5, $0x3;
	v23 =	vshll.u32 v23, $0x4;
	v16 =	vor.u32 v0, v16;
	v13 =	vld.idx.msk [tilespmem:v13+s10+$0x0], $0xffff  }
0x2f: {  	v6 =	vshll.u32 v6, $0x3;
	v7 =	vshll.u32 v7, $0x3;
	v23 =	vor.u32 v0, v23;
	v35 =	vld.idx.msk [tilespmem:v3+s10+$0x0], $0xffff  }
0x30: {  	v11 =	vshll.u32 v11, $0x3;
	v31 =	vor.u32 v0, v2;
	v9 =	vshll.u32 v9, $0x4;
	v28 =	vld.idx.msk [tilespmem:v28+s10+$0x0], $0xffff  }
0x31: {  	v14 =	vshll.u32 v14, $0x3;
	v21 =	vld.idx.msk [tilespmem:v21+s10+$0x0], $0xffff;
	v9 =	vor.u32 v0, v9;
	v12 =	vshll.u32 v12, $0x4  }
0x32: {  	v20 =	vshll.u32 v20, $0x4;
	v25 =	vshll.u32 v25, $0x4;
	v30 =	vld.idx.msk [tilespmem:v30+s10+$0x0], $0xffff;
	v8 =	vor.u32 v0, v12  }
0x33: {  	v24 =	vshll.u32 v24, $0x3;
	v20 =	vor.u32 v0, v20;
	v3 =	vor.u32 v0, v25;
	v25 =	vld.idx.msk [tilespmem:v16+s10+$0x0], $0xffff  }
0x34: {  	v16 =	vshll.u32 v17, $0x4;
	v17 =	vld.idx.msk [tilespmem:v23+s10+$0x0], $0xffff;
	v23 =	vshll.u32 v15, $0x3;
	v12 =	vshll.u32 v32, $0x4  }
0x35: {  	v31 =	vld.idx.msk [tilespmem:v31+s10+$0x0], $0xffff;
	v15 =	vor.u32 v0, v16;
	v10 =	vor.u32 v0, v12;
	v12 =	vshll.u32 v33, $0x4  }
0x36: {  	v16 =	vshll.u32 v18, $0x3;
	v12 =	vor.u32 v0, v12;
	v37 =	vld.idx.msk [tilespmem:v9+s10+$0x0], $0xffff;
	v9 =	vand.u32 $0x7, v28  }
0x37: {  	v26 =	vshll.u32 v26, $0x3;
	v38 =	vld.idx.msk [tilespmem:v8+s10+$0x0], $0xffff;
	v8 =	vor.u32 v9, v16;
	v9 =	vand.u32 $0x7, v30  }
0x38: {  	v19 =	vshll.u32 v19, $0x3;
	v27 =	vshll.u32 v27, $0x3;
	v20 =	vld.idx.msk [tilespmem:v20+s10+$0x0], $0xffff;
	v4 =	vor.u32 v9, v4  }
0x39: {  	v22 =	vshll.u32 v22, $0x3;
	v53 =	vld.idx.msk [tilespmem:v3+s10+$0x0], $0xffff;
	v3 =	vand.u32 $0xFFFFFFF8, v29;
	v29 =	vand.u32 $0x7, v29  }
0x3a: {  	v18 =	vand.u32 $0xFFFFFFF8, v21;
	v21 =	vand.u32 $0x7, v21;
	v42 =	vld.idx.msk [tilespmem:v15+s10+$0x0], $0xffff;
	v15 =	vand.u32 $0x7, v31  }
0x3b: {  	v29 =	vor.u32 v34, v29;
	v41 =	vand.u32 $0xFFFFFFF8, v31;
	v31 =	vor.u32 v15, v5;
	v40 =	vld.idx.msk [tilespmem:v12+s10+$0x0], $0xffff  }
0x3c: {  	v28 =	vand.u32 $0xFFFFFFF8, v28;
	v11 =	vor.u32 v21, v11;
	v5 =	vand.u32 $0x7, v13;
	v44 =	vld.idx.msk [tilespmem:v8+s2+$0x0], $0xffff  }
0x3d: {  	v12 =	vand.u32 $0xFFFFFFF8, v25;
	v43 =	vor.u32 v5, v6;
	v25 =	vand.u32 $0x7, v25;
	v45 =	vld.idx.msk [tilespmem:v4+s2+$0x0], $0xffff  }
0x3e: {  	v30 =	vand.u32 $0xFFFFFFF8, v30;
	v5 =	vand.u32 $0x7, v35;
	v25 =	vor.u32 v25, v36  }
0x3f: {  	v16 =	vand.u32 $0xFFFFFFF8, v17;
	v39 =	vld.idx.msk [tilespmem:v10+s10+$0x0], $0xffff;
	v10 =	vand.u32 $0xFFFFFFF8, v35;
	v35 =	vor.u32 v5, v7  }
0x40: {  	v17 =	vand.u32 $0x7, v17;
	v9 =	vand.u32 $0xFFFFFFF8, v13;
	v15 =	vand.u32 $0xFFFFFFF8, v20;
	v31 =	vld.idx.msk [tilespmem:v31+s2+$0x0], $0xffff  }
0x41: {  	v20 =	vand.u32 $0x7, v20;
	v14 =	vor.u32 v17, v14;
	v56 =	vadd.f32 v28, v44  }
0x42: {  	vm1 =	vgt.f32 v30, $-1.000000020e+29;
	v20 =	vor.u32 v20, v52;
	v54 =	vld.idx.msk [tilespmem:v43+s2+$0x0], $0xffff;
	v60 =	vadd.f32 v30, v45  }
0x43: {  	v13 =	vand.u32 $0xFFFFFFF8, v53;
	v55 =	vand.u32 $0x7, v53;
	v25 =	vld.idx.msk [tilespmem:v25+s2+$0x0], $0xffff;
	v21 =	vsub.f32 $0.0e+00, v56  }
0x44: {  	v57 =	vand.u32 $0x7, v37;
	v17 =	vor.u32 v55, v23;
	v35 =	vld.idx.msk [tilespmem:v35+s2+$0x0], $0xffff;
	v61 =	vsub.f32 $0.0e+00, v60  }
0x45: {  	v8 =	vand.u32 $0xFFFFFFF8, v37;
	v31 =	vadd.f32 v41, v31;
	v21 =	vmul.f32 $1.442695020e+00, v21  }
0x46: {  	v7 =	vand.u32 $0xFFFFFFF8, v38;
	v58 =	vand.u32 $0x7, v38;
	v32 =	vmul.f32 $1.442695020e+00, v61  }
0x47: {  	v20 =	vld.idx.msk [tilespmem:v20+s2+$0x0], $0xffff;
	v62 =	vadd.f32 v9, v54;
	v31 =	vsub.f32 $0.0e+00, v31;
	(erf) = vpow2.f32 v21  }
0x48: {  	v19 =	vor.u32 v57, v19;
	v25 =	vadd.f32 v12, v25;
	(erf) = vpow2.f32 v32  }
0x49: {  	v30 =	vmul.f32 $1.442695020e+00, v31;
	v31 =	vsub.f32 $0.0e+00, v62;
	v21 =	vadd.f32 v10, v35  }
0x4a: {  	v11 =	vld.idx.msk [tilespmem:v11+s2+$0x0], $0xffff;
	v59 =	vand.u32 $0x7, v39;
	v22 =	vor.u32 v58, v22;
	v25 =	vsub.f32 $0.0e+00, v25  }
0x4b: {  	v14 =	vld.idx.msk [tilespmem:v14+s2+$0x0], $0xffff;
	v24 =	vor.u32 v59, v24;
	v31 =	vmul.f32 $1.442695020e+00, v31;
	v21 =	vsub.f32 $0.0e+00, v21  }
0x4c: {  	v17 =	vld.idx.msk [tilespmem:v17+s2+$0x0], $0xffff;
	v20 =	vadd.f32 v15, v20;
	v25 =	vmul.f32 $1.442695020e+00, v25;
	(erf) = vpow2.f32 v30  }
0x4d: {  	v63 =	vand.u32 $0x7, v42;
	(erf) = vpow2.f32 v31;
	v21 =	vmul.f32 $1.442695020e+00, v21  }
0x4e: {  	v6 =	vand.u32 $0xFFFFFFF8, v39;
	v23 =	vand.u32 $0x7, v40;
	v19 =	vld.idx.msk [tilespmem:v19+s2+$0x0], $0xffff;
	v20 =	vsub.f32 $0.0e+00, v20  }
0x4f: {  	v23 =	vor.u32 v23, v26;
	v11 =	vadd.f32 v18, v11;
	v22 =	vld.idx.msk [tilespmem:v22+s2+$0x0], $0xffff;
	(erf) = vpow2.f32 v21  }
0x50: {  	v26 =	vor.u32 v63, v27;
	v14 =	vadd.f32 v16, v14;
	v20 =	vmul.f32 $1.442695020e+00, v20;
	v21 =	vld.idx.msk [tilespmem:v24+s2+$0x0], $0xffff;
	v24 =	vpop (erf)  }
0x51: {  	v11 =	vsub.f32 $0.0e+00, v11;
	v17 =	vadd.f32 v13, v17;
	(erf) = vpow2.f32 v25;
	v25 =	vpop (erf)  }
0x52: {  	(erf) = vpow2.f32 v20;
	v24 =	vadd.f32 $1.000000000e+00, v24;
	v20 =	vadd.f32 $1.000000000e+00, v25  }
0x53: {  	v11 =	vmul.f32 $1.442695020e+00, v11;
	v14 =	vsub.f32 $0.0e+00, v14;
	v19 =	vadd.f32 v8, v19  }
0x54: {  	v22 =	vadd.f32 v7, v22;
	v17 =	vsub.f32 $0.0e+00, v17;
	(erf) = vrcp.f32 v24  }
0x55: {  	v14 =	vmul.f32 $1.442695020e+00, v14;
	v19 =	vsub.f32 $0.0e+00, v19;
	v25 =	vpop (erf);
	(erf) = vpow2.f32 v11  }
0x56: {  	v17 =	vmul.f32 $1.442695020e+00, v17;
	v11 =	vadd.f32 $1.000000000e+00, v25;
	(erf) = vrcp.f32 v20;
	v20 =	vpop (erf)  }
0x57: {  	v21 =	vadd.f32 v6, v21;
	(erf) = vpow2.f32 v14;
	v14 =	vadd.f32 $1.000000000e+00, v20  }
0x58: {  	(erf) = vrcp.f32 v11;
	v11 =	vmul.f32 $1.442695020e+00, v19;
	v19 =	vsub.f32 $0.0e+00, v22;
	v22 =	vpop (erf)  }
0x59: {  	v23 =	vld.idx.msk [tilespmem:v23+s2+$0x0], $0xffff;
	(erf) = vpow2.f32 v17;
	v17 =	vadd.f32 $1.000000000e+00, v22  }
0x5a: {  	v24 =	vld.idx.msk [tilespmem:v26+s2+$0x0], $0xffff;
	(erf) = vrcp.f32 v14;
	v14 =	vmul.f32 $1.442695020e+00, v19;
	_ =	sdelay $0x1  }
0x5b: {  	vm2 =	vgt.f32 v28, $-1.000000020e+29;
	v19 =	vsub.f32 $0.0e+00, v21;
	v21 =	vpop (erf);
	(erf) = vpow2.f32 v11  }
0x5c: {  	v29 =	vld.idx.msk [tilespmem:v29+s2+$0x0], $0xffff;
	v5 =	vand.u32 $0xFFFFFFF8, v40;
	v11 =	vadd.f32 $1.000000000e+00, v21;
	(erf) = vrcp.f32 v17;
	v17 =	vpop (erf)  }
0x5d: {  	s18 =	simm.s32 $0x580;
	v4 =	vand.u32 $0xFFFFFFF8, v42;
	v20 =	vadd.f32 v5, v23;
	(erf) = vpow2.f32 v14;
	v14 =	vpop (erf)  }
0x5e: {  	v22 =	vadd.f32 v4, v24;
	v17 =	vadd.f32 $1.000000000e+00, v17;
	[tilespmem:s18+$0x70] =	vst v14;
	v14 =	vsel vm2, $0x3F800000, v1  }
0x5f: {  	v19 =	vmul.f32 $1.442695020e+00, v19  }
0x60: {  	s17 =	simm.s32 $0xD80;
	v20 =	vsub.f32 $0.0e+00, v20;
	v21 =	vsub.f32 $0.0e+00, v22;
	(erf) = vrcp.f32 v11;
	v11 =	vpop (erf)  }
0x61: {  	v29 =	vadd.f32 v3, v29;
	(erf) = vpow2.f32 v19;
	[tilespmem:s17+$0x70] =	vst v14;
	v11 =	vadd.f32 $1.000000000e+00, v11;
	v14 =	vpop (erf)  }
0x62: {  	v20 =	vmul.f32 $1.442695020e+00, v20;
	(erf) = vrcp.f32 v17;
	v17 =	vpop (erf)  }
0x63: {  	v19 =	vsub.f32 $0.0e+00, v29;
	[tilespmem:s18+$0xFFFFFF90] =	vst v14;
	v14 =	vsel vm1, $0x3F800000, v1;
	v17 =	vadd.f32 $1.000000000e+00, v17  }
0x64: {  	[tilespmem:s17+$0xFFFFFF90] =	vst v14;
	v14 =	vmul.f32 $1.442695020e+00, v21;
	v21 =	vpop (erf);
	(erf) = vpow2.f32 v20  }
0x65: {  	vm0 =	vgt.f32 v41, $-1.000000020e+29;
	v19 =	vmul.f32 $1.442695020e+00, v19;
	(erf) = vrcp.f32 v11;
	v11 =	vpop (erf)  }
0x66: {  	v20 =	vsel vm0, $0x3F800000, v1;
	vm0 =	vgt.f32 v9, $-1.000000020e+29;
	v9 =	vpop (erf);
	(erf) = vpow2.f32 v14  }
0x67: {  	s19 =	simm.s32 $0x10;
	[tilespmem:s18+$0xFFFFFFA0] =	vst v21;
	(erf) = vrcp.f32 v17;
	v17 =	vpop (erf)  }
0x68: {  	v2 =	vmov s19;
	[tilespmem:s17+$0xFFFFFFA0] =	vst v20;
	v17 =	vadd.f32 $1.000000000e+00, v17  }
0x69: {  	s20 =	simm.s32 $0x11;
	v14 =	vsel vm0, $0x3F800000, v1;
	v11 =	vadd.f32 $1.000000000e+00, v11;
	vm0 =	vgt.f32 v10, $-1.000000020e+29;
	[tilespmem:s18+$0xFFFFFFB0] =	vst v9;
	v10 =	vpop (erf)  }
0x6a: {  	v9 =	vmov s20;
	[tilespmem:s17+$0xFFFFFFB0] =	vst v14;
	(erf) = vpow2.f32 v19;
	v14 =	vsel vm0, $0x3F800000, v1;
	v19 =	vpop (erf)  }
0x6b: {  	s22 =	simm.s32 $0x12;
	vm0 =	vgt.f32 v12, $-1.000000020e+29;
	(erf) = vrcp.f32 v11;
	[tilespmem:s18+$0xFFFFFFC0] =	vst v10;
	v12 =	vpop (erf);
	v19 =	vadd.f32 $1.000000000e+00, v19  }
0x6c: {  	s21 =	simm.s32 $0x13;
	v11 =	vmov s22;
	[tilespmem:s17+$0xFFFFFFC0] =	vst v14;
	(erf) = vrcp.f32 v17;
	v17 =	vpop (erf)  }
0x6d: {  	s23 =	simm.s32 $0x14;
	v20 =	vsel vm0, $0x3F800000, v1;
	v10 =	vmov s21;
	[tilespmem:s18+$0xFFFFFFD0] =	vst v12;
	v21 =	vadd.f32 $1.000000000e+00, v17  }
0x6e: {  	s24 =	simm.s32 $0x15;
	vm0 =	vgt.f32 v15, $-1.000000020e+29;
	v14 =	vmov s23;
	[tilespmem:s17+$0xFFFFFFD0] =	vst v20;
	v15 =	vpop (erf)  }
0x6f: {  	s25 =	simm.s32 $0x16;
	v23 =	vld.idx.msk [tilespmem:v2+s9+$0x0], $0xffff;
	v12 =	vmov s24;
	v20 =	vsel vm0, $0x3F800000, v1;
	(erf) = vrcp.f32 v19;
	[tilespmem:s18+$0xFFFFFFE0] =	vst v15;
	v19 =	vpop (erf)  }
0x70: {  	s26 =	simm.s32 $0x17;
	v24 =	vld.idx.msk [tilespmem:v9+s9+$0x0], $0xffff;
	vm0 =	vgt.f32 v18, $-1.000000020e+29;
	v17 =	vmov s25;
	[tilespmem:s17+$0xFFFFFFE0] =	vst v20;
	v18 =	vpop (erf);
	v22 =	vadd.f32 $1.000000000e+00, v19  }
0x71: {  	s28 =	simm.s32 $0x18;
	s29 =	simm.s32 $0x19;
	v28 =	vld.idx.msk [tilespmem:v11+s9+$0x0], $0xffff;
	v15 =	vmov s26;
	v20 =	vsel vm0, $0x3F800000, v1;
	(erf) = vrcp.f32 v21;
	[tilespmem:s18+$0xFFFFFFF0] =	vst v18;
	v21 =	vpop (erf)  }
0x72: {  	v29 =	vld.idx.msk [tilespmem:v10+s9+$0x0], $0xffff;
	v19 =	vmov s28;
	vm0 =	vgt.f32 v16, $-1.000000020e+29;
	v18 =	vmov s29;
	[tilespmem:s17+$0xFFFFFFF0] =	vst v20;
	v16 =	vpop (erf)  }
0x73: {  	s30 =	simm.s32 $0x1A;
	s31 =	simm.s32 $0x1F;
	v30 =	vld.idx.msk [tilespmem:v14+s9+$0x0], $0xffff;
	v26 =	vsel vm0, $0x3F800000, v1;
	v21 =	vadd.f32 $1.000000000e+00, v21;
	[tilespmem:s18+$0x0] =	vst v16;
	v25 =	vpop (erf);
	(erf) = vrcp.f32 v22  }
0x74: {  	s20 =	simm.s32 $0x20;
	v31 =	vld.idx.msk [tilespmem:v12+s9+$0x0], $0xffff;
	vm0 =	vgt.f32 v13, $-1.000000020e+29;
	v20 =	vmov s31;
	v16 =	vmov s30;
	[tilespmem:s17+$0x0] =	vst v26;
	v22 =	vpop (erf)  }
.LBB2_2:
0x75: {  	p0 =	slt.u32 s20, $0x70;
	v13 =	vld.idx.msk [tilespmem:v17+s9+$0x0], $0xffff;
	s21 =	sadd.s32 $0xB, s19;
	v25 =	vadd.f32 $1.000000000e+00, v25;
	[tilespmem:s18+$0x10] =	vst v22;
	v22 =	vsel vm0, $0x3F800000, v1;
	(erf) = vrcp.f32 v21  }
0x76: {  	v26 =	vmov s20;
	vm0 =	vgt.f32 v8, $-1.000000020e+29;
	v27 =	vld.idx.msk [tilespmem:v15+s9+$0x0], $0xffff;
	v32 =	vmov s21;
	s21 =	sadd.s32 $0xC, s19;
	[tilespmem:s17+$0x10] =	vst v22;
	v8 =	vpop (erf)  }
0x77: {  	v22 =	vld.idx.msk [tilespmem:v19+s9+$0x0], $0xffff;
	v33 =	vmov s21;
	s21 =	sadd.s32 $0xD, s19;
	[tilespmem:s18+$0x20] =	vst v8;
	v8 =	vsel vm0, $0x3F800000, v1;
	(erf) = vrcp.f32 v25  }
0x78: {  	v21 =	vshll.u32 v2, $0x3;
	vm0 =	vgt.f32 v7, $-1.000000020e+29;
	v25 =	vld.idx.msk [tilespmem:v18+s9+$0x0], $0xffff;
	v34 =	vmov s21;
	s21 =	sadd.s32 $0xE, s19;
	[tilespmem:s17+$0x20] =	vst v8;
	v2 =	vpop (erf);
	s19 =	smov.u32 s20  }
0x79: {  	v7 =	vshll.u32 v23, $0x4;
	v35 =	vsel vm0, $0x3F800000, v1;
	v8 =	vmov s21;
	v23 =	vld.idx.msk [tilespmem:v20+s9+$0x0], $0xffff;
	[tilespmem:s18+$0x30] =	vst v2;
	v2 =	vmovc v26  }
0x7a: {  	v24 =	vshll.u32 v24, $0x4;
	v7 =	vor.u32 v0, v7;
	vm0 =	vgt.f32 v6, $-1.000000020e+29;
	v26 =	vld.idx.msk [tilespmem:v16+s9+$0x0], $0xffff;
	[tilespmem:s17+$0x30] =	vst v35;
	v6 =	vpop (erf)  }
0x7b: {  	v24 =	vor.u32 v0, v24;
	v28 =	vshll.u32 v28, $0x4;
	v35 =	vld.idx.msk [tilespmem:v32+s9+$0x0], $0xffff;
	[tilespmem:s18+$0x40] =	vst v6;
	v6 =	vsel vm0, $0x3F800000, v1  }
0x7c: {  	v28 =	vor.u32 v0, v28;
	v29 =	vshll.u32 v29, $0x4;
	vm0 =	vgt.f32 v5, $-1.000000020e+29;
	v36 =	vld.idx.msk [tilespmem:v33+s9+$0x0], $0xffff;
	[tilespmem:s17+$0x40] =	vst v6;
	v5 =	vpop (erf)  }
0x7d: {  	v6 =	vor.u32 v0, v29;
	v29 =	vshll.u32 v30, $0x4;
	v30 =	vld.idx.msk [tilespmem:v34+s9+$0x0], $0xffff;
	[tilespmem:s18+$0x50] =	vst v5;
	v5 =	vsel vm0, $0x3F800000, v1  }
0x7e: {  	v31 =	vshll.u32 v31, $0x4;
	v29 =	vor.u32 v0, v29;
	vm0 =	vgt.f32 v4, $-1.000000020e+29;
	v37 =	vld.idx.msk [tilespmem:v8+s9+$0x0], $0xffff;
	[tilespmem:s17+$0x50] =	vst v5;
	v4 =	vpop (erf)  }
0x7f: {  	v23 =	vshll.u32 v23, $0x4;
	v5 =	vld.idx.msk [tilespmem:v7+s10+$0x0], $0xffff;
	v7 =	vor.u32 v0, v31;
	[tilespmem:s18+$0x60] =	vst v4;
	v4 =	vsel vm0, $0x3F800000, v1  }
0x80: {  	v13 =	vshll.u32 v13, $0x4;
	v23 =	vor.u32 v0, v23;
	vm0 =	vgt.f32 v3, $-1.000000020e+29;
	v24 =	vld.idx.msk [tilespmem:v24+s10+$0x0], $0xffff;
	[tilespmem:s17+$0x60] =	vst v4;
	v3 =	vpop (erf)  }
0x81: {  	v13 =	vor.u32 v0, v13;
	v27 =	vshll.u32 v27, $0x4;
	v4 =	vld.idx.msk [tilespmem:v28+s10+$0x0], $0xffff;
	[tilespmem:s18+$0xFFFFFF80] =	vst v3;
	v3 =	vsel vm0, $0x3F800000, v1  }
0x82: {  	v9 =	vshll.u32 v9, $0x3;
	v27 =	vor.u32 v0, v27;
	v22 =	vshll.u32 v22, $0x4;
	v6 =	vld.idx.msk [tilespmem:v6+s10+$0x0], $0xffff;
	[tilespmem:s17+$0xFFFFFF80] =	vst v3  }
0x83: {  	v11 =	vshll.u32 v11, $0x3;
	v3 =	vor.u32 v0, v22;
	v22 =	vshll.u32 v25, $0x4;
	v28 =	vld.idx.msk [tilespmem:v29+s10+$0x0], $0xffff  }
0x84: {  	v25 =	vshll.u32 v10, $0x3;
	v10 =	vshll.u32 v26, $0x4;
	v29 =	vld.idx.msk [tilespmem:v7+s10+$0x0], $0xffff;
	v7 =	vor.u32 v0, v22  }
0x85: {  	v14 =	vshll.u32 v14, $0x3;
	v10 =	vor.u32 v0, v10;
	v22 =	vshll.u32 v35, $0x4;
	v23 =	vld.idx.msk [tilespmem:v23+s10+$0x0], $0xffff  }
0x86: {  	v26 =	vshll.u32 v12, $0x3;
	v12 =	vor.u32 v0, v22;
	v31 =	vld.idx.msk [tilespmem:v13+s10+$0x0], $0xffff;
	v13 =	vshll.u32 v36, $0x4  }
0x87: {  	v17 =	vshll.u32 v17, $0x3;
	v22 =	vld.idx.msk [tilespmem:v27+s10+$0x0], $0xffff;
	v13 =	vor.u32 v0, v13;
	v27 =	vshll.u32 v30, $0x4  }
0x88: {  	v30 =	vshll.u32 v15, $0x3;
	v35 =	vld.idx.msk [tilespmem:v3+s10+$0x0], $0xffff;
	v15 =	vor.u32 v0, v27;
	v3 =	vshll.u32 v37, $0x4  }
0x89: {  	v19 =	vshll.u32 v19, $0x3;
	v36 =	vshll.u32 v18, $0x3;
	v27 =	vld.idx.msk [tilespmem:v7+s10+$0x0], $0xffff;
	v7 =	vor.u32 v0, v3  }
0x8a: {  	v38 =	vshll.u32 v16, $0x3;
	v32 =	vshll.u32 v32, $0x3;
	v33 =	vshll.u32 v33, $0x3;
	v37 =	vld.idx.msk [tilespmem:v10+s10+$0x0], $0xffff  }
0x8b: {  	v34 =	vshll.u32 v34, $0x3;
	v10 =	vand.u32 $0x7, v23;
	v39 =	vld.idx.msk [tilespmem:v12+s10+$0x0], $0xffff;
	v12 =	vshll.u32 v20, $0x3  }
0x8c: {  	v40 =	vshll.u32 v8, $0x3;
	v3 =	vand.u32 $0xFFFFFFF8, v5;
	v20 =	vld.idx.msk [tilespmem:v13+s10+$0x0], $0xffff;
	v8 =	vor.u32 v10, v12  }
0x8d: {  	v41 =	vand.u32 $0x7, v5;
	v5 =	vand.u32 $0x7, v24;
	v24 =	vand.u32 $0xFFFFFFF8, v24;
	v42 =	vld.idx.msk [tilespmem:v15+s10+$0x0], $0xffff  }
0x8e: {  	v43 =	vand.u32 $0xFFFFFFF8, v4;
	v5 =	vor.u32 v5, v9;
	v9 =	vand.u32 $0xFFFFFFF8, v6;
	v44 =	vld.idx.msk [tilespmem:v7+s10+$0x0], $0xffff  }
0x8f: {  	v4 =	vand.u32 $0x7, v4;
	v10 =	vand.u32 $0xFFFFFFF8, v28;
	v12 =	vand.u32 $0xFFFFFFF8, v29  }
0x90: {  	v11 =	vor.u32 v4, v11;
	v4 =	vand.u32 $0x7, v6;
	v15 =	vand.u32 $0xFFFFFFF8, v31  }
0x91: {  	v25 =	vor.u32 v4, v25;
	v18 =	vand.u32 $0xFFFFFFF8, v22;
	v16 =	vand.u32 $0xFFFFFFF8, v35;
	v45 =	vld.idx.msk [tilespmem:v8+s2+$0x0], $0xffff  }
0x92: {  	v4 =	vand.u32 $0x7, v28;
	v13 =	vand.u32 $0xFFFFFFF8, v27;
	v8 =	vand.u32 $0xFFFFFFF8, v37  }
0x93: {  	v14 =	vor.u32 v4, v14;
	v7 =	vand.u32 $0xFFFFFFF8, v39;
	v6 =	vand.u32 $0xFFFFFFF8, v20;
	v28 =	vld.idx.msk [tilespmem:v5+s2+$0x0], $0xffff  }
0x94: {  	v29 =	vand.u32 $0x7, v29;
	v5 =	vand.u32 $0xFFFFFFF8, v42;
	v4 =	vand.u32 $0xFFFFFFF8, v44  }
0x95: {  	v21 =	vor.u32 v21, v41;
	v26 =	vor.u32 v29, v26;
	v29 =	vand.u32 $0x7, v31;
	v41 =	vld.idx.msk [tilespmem:v11+s2+$0x0], $0xffff  }
0x96: {  	v22 =	vand.u32 $0x7, v22;
	v31 =	vand.u32 $0x7, v35;
	v11 =	vand.u32 $0xFFFFFFF8, v23;
	v25 =	vld.idx.msk [tilespmem:v25+s2+$0x0], $0xffff  }
0x97: {  	v17 =	vor.u32 v29, v17;
	v23 =	vand.u32 $0x7, v27;
	v27 =	vadd.f32 v11, v45  }
0x98: {  	v29 =	vand.u32 $0x7, v37;
	v35 =	vand.u32 $0x7, v39;
	v20 =	vand.u32 $0x7, v20;
	v14 =	vld.idx.msk [tilespmem:v14+s2+$0x0], $0xffff  }
0x99: {  	v22 =	vor.u32 v22, v30;
	v28 =	vadd.f32 v24, v28;
	v27 =	vsub.f32 $0.0e+00, v27  }
0x9a: {  	v19 =	vor.u32 v31, v19;
	v30 =	vand.u32 $0x7, v42;
	v23 =	vor.u32 v23, v36;
	v26 =	vld.idx.msk [tilespmem:v26+s2+$0x0], $0xffff  }
0x9b: {  	v28 =	vsub.f32 $0.0e+00, v28;
	v31 =	vadd.f32 v43, v41;
	v27 =	vmul.f32 $1.442695020e+00, v27;
	v21 =	vld.idx.msk [tilespmem:v21+s2+$0x0], $0xffff  }
0x9c: {  	v29 =	vor.u32 v29, v38;
	v36 =	vand.u32 $0x7, v44;
	v25 =	vadd.f32 v9, v25;
	v17 =	vld.idx.msk [tilespmem:v17+s2+$0x0], $0xffff  }
0x9d: {  	v28 =	vmul.f32 $1.442695020e+00, v28;
	v31 =	vsub.f32 $0.0e+00, v31;
	(erf) = vpow2.f32 v27  }
0x9e: {  	vm1 =	vgt.f32 v24, $-1.000000020e+29;
	v24 =	vor.u32 v35, v32;
	v14 =	vadd.f32 v10, v14;
	v22 =	vld.idx.msk [tilespmem:v22+s2+$0x0], $0xffff  }
0x9f: {  	v25 =	vsub.f32 $0.0e+00, v25;
	v27 =	vmul.f32 $1.442695020e+00, v31;
	v19 =	vld.idx.msk [tilespmem:v19+s2+$0x0], $0xffff;
	(erf) = vpow2.f32 v28  }
0xa0: {  	vm0 =	vgt.f32 v43, $-1.000000020e+29;
	v20 =	vor.u32 v20, v33;
	v26 =	vadd.f32 v12, v26;
	v23 =	vld.idx.msk [tilespmem:v23+s2+$0x0], $0xffff  }
0xa1: {  	v25 =	vmul.f32 $1.442695020e+00, v25;
	v14 =	vsub.f32 $0.0e+00, v14;
	v28 =	vld.idx.msk [tilespmem:v29+s2+$0x0], $0xffff;
	(erf) = vpow2.f32 v27  }
0xa2: {  	v21 =	vadd.f32 v3, v21;
	v17 =	vadd.f32 v15, v17;
	v27 =	vor.u32 v30, v34  }
0xa3: {  	v14 =	vmul.f32 $1.442695020e+00, v14;
	v26 =	vsub.f32 $0.0e+00, v26;
	v24 =	vld.idx.msk [tilespmem:v24+s2+$0x0], $0xffff;
	(erf) = vpow2.f32 v25  }
0xa4: {  	v17 =	vsub.f32 $0.0e+00, v17;
	v22 =	vadd.f32 v18, v22;
	v25 =	vor.u32 v36, v40  }
0xa5: {  	v29 =	vmul.f32 $1.442695020e+00, v26;
	v19 =	vadd.f32 v16, v19;
	v20 =	vld.idx.msk [tilespmem:v20+s2+$0x0], $0xffff;
	(erf) = vpow2.f32 v14  }
0xa6: {  	v14 =	vmul.f32 $1.442695020e+00, v17;
	v17 =	vsub.f32 $0.0e+00, v22;
	v22 =	vadd.f32 v13, v23;
	v23 =	vpop (erf)  }
0xa7: {  	v28 =	vadd.f32 v8, v28;
	v27 =	vld.idx.msk [tilespmem:v27+s2+$0x0], $0xffff;
	v30 =	vadd.f32 $1.000000000e+00, v23;
	(erf) = vpow2.f32 v29  }
0xa8: {  	v19 =	vsub.f32 $0.0e+00, v19;
	v17 =	vmul.f32 $1.442695020e+00, v17;
	v26 =	vpop (erf);
	(erf) = vpow2.f32 v14  }
0xa9: {  	v24 =	vadd.f32 v7, v24;
	v14 =	vadd.f32 $1.000000000e+00, v26;
	v25 =	vld.idx.msk [tilespmem:v25+s2+$0x0], $0xffff;
	(erf) = vrcp.f32 v30  }
0xaa: {  	v22 =	vsub.f32 $0.0e+00, v22;
	v19 =	vmul.f32 $1.442695020e+00, v19;
	v23 =	vpop (erf);
	(erf) = vpow2.f32 v17  }
0xab: {  	v20 =	vadd.f32 v6, v20;
	v17 =	vadd.f32 $1.000000000e+00, v23;
	(erf) = vrcp.f32 v14  }
0xac: {  	v14 =	vmul.f32 $1.442695020e+00, v22;
	v22 =	vsub.f32 $0.0e+00, v28;
	v23 =	vpop (erf);
	(erf) = vpow2.f32 v19  }
0xad: {  	v19 =	vadd.f32 $1.000000000e+00, v23;
	v23 =	vadd.f32 v5, v27;
	(erf) = vrcp.f32 v17  }
0xae: {  	v26 =	vsub.f32 $0.0e+00, v24;
	v17 =	vmul.f32 $1.442695020e+00, v22;
	v24 =	vpop (erf);
	(erf) = vpow2.f32 v14  }
0xaf: {  	v27 =	vadd.f32 $1.000000000e+00, v24;
	v24 =	vadd.f32 v4, v25;
	(erf) = vrcp.f32 v19  }
0xb0: {  	v20 =	vsub.f32 $0.0e+00, v20;
	v19 =	vmul.f32 $1.442695020e+00, v26;
	v22 =	vpop (erf);
	(erf) = vpow2.f32 v17  }
0xb1: {  	v25 =	vadd.f32 $1.000000000e+00, v22;
	v22 =	vsub.f32 $0.0e+00, v23;
	(erf) = vrcp.f32 v27;
	v14 =	vpop (erf)  }
0xb2: {  	s18 =	sadd.s32 $0x100, s18;
	vm2 =	vgt.f32 v11, $-1.000000020e+29;
	v20 =	vmul.f32 $1.442695020e+00, v20;
	(erf) = vpow2.f32 v19;
	v11 =	vpop (erf)  }
0xb3: {  	s17 =	sadd.s32 $0x100, s17;
	v23 =	vsel vm2, $0x3F800000, v1;
	v26 =	vadd.f32 $1.000000000e+00, v14;
	[tilespmem:s18+$0x70] =	vst v11;
	(erf) = vrcp.f32 v25;
	v17 =	vpop (erf)  }
0xb4: {  	v19 =	vmul.f32 $1.442695020e+00, v22;
	v22 =	vsub.f32 $0.0e+00, v24;
	[tilespmem:s17+$0x70] =	vst v23;
	v11 =	vpop (erf);
	(erf) = vpow2.f32 v20  }
0xb5: {  	v23 =	vadd.f32 $1.000000000e+00, v17;
	[tilespmem:s18+$0xFFFFFF90] =	vst v11;
	v11 =	vsel vm1, $0x3F800000, v1;
	(erf) = vrcp.f32 v26;
	v14 =	vpop (erf)  }
0xb6: {  	v20 =	vsub.f32 $0.0e+00, v21;
	[tilespmem:s17+$0xFFFFFF90] =	vst v11;
	v11 =	vmul.f32 $1.442695020e+00, v22;
	v21 =	vpop (erf);
	(erf) = vpow2.f32 v19  }
0xb7: {  	v19 =	vsel vm0, $0x3F800000, v1;
	[tilespmem:s18+$0xFFFFFFA0] =	vst v21;
	v21 =	vadd.f32 $1.000000000e+00, v14;
	(erf) = vrcp.f32 v23;
	v17 =	vpop (erf)  }
0xb8: {  	v20 =	vmul.f32 $1.442695020e+00, v20;
	vm0 =	vgt.f32 v9, $-1.000000020e+29;
	[tilespmem:s17+$0xFFFFFFA0] =	vst v19;
	v9 =	vpop (erf);
	(erf) = vpow2.f32 v11  }
0xb9: {  	s21 =	sadd.s32 $0x1, s20;
	v11 =	vsel vm0, $0x3F800000, v1;
	v22 =	vadd.f32 $1.000000000e+00, v17;
	[tilespmem:s18+$0xFFFFFFB0] =	vst v9;
	(erf) = vrcp.f32 v21;
	v14 =	vpop (erf)  }
0xba: {  	vm0 =	vgt.f32 v10, $-1.000000020e+29;
	v9 =	vmov s21;
	[tilespmem:s17+$0xFFFFFFB0] =	vst v11;
	(erf) = vpow2.f32 v20;
	v10 =	vpop (erf)  }
0xbb: {  	s22 =	sadd.s32 $0x3, s20;
	s21 =	sadd.s32 $0x2, s20;
	v19 =	vsel vm0, $0x3F800000, v1;
	v14 =	vadd.f32 $1.000000000e+00, v14;
	[tilespmem:s18+$0xFFFFFFC0] =	vst v10;
	(erf) = vrcp.f32 v22;
	v17 =	vpop (erf)  }
0xbc: {  	vm0 =	vgt.f32 v12, $-1.000000020e+29;
	v11 =	vmov s21;
	v10 =	vmov s22;
	[tilespmem:s17+$0xFFFFFFC0] =	vst v19;
	v12 =	vpop (erf)  }
0xbd: {  	s21 =	sadd.s32 $0x4, s20;
	s22 =	sadd.s32 $0x5, s20;
	v19 =	vsel vm0, $0x3F800000, v1;
	v17 =	vadd.f32 $1.000000000e+00, v17;
	[tilespmem:s18+$0xFFFFFFD0] =	vst v12;
	(erf) = vrcp.f32 v14;
	v20 =	vpop (erf)  }
0xbe: {  	vm0 =	vgt.f32 v15, $-1.000000020e+29;
	v14 =	vmov s21;
	v12 =	vmov s22;
	[tilespmem:s17+$0xFFFFFFD0] =	vst v19;
	v15 =	vpop (erf)  }
0xbf: {  	s21 =	sadd.s32 $0x6, s20;
	s22 =	sadd.s32 $0x7, s20;
	v19 =	vsel vm0, $0x3F800000, v1;
	v25 =	vadd.f32 $1.000000000e+00, v20;
	v23 =	vld.idx.msk [tilespmem:v2+s9+$0x0], $0xffff;
	[tilespmem:s18+$0xFFFFFFE0] =	vst v15;
	(erf) = vrcp.f32 v17;
	v21 =	vpop (erf)  }
.Ltmp0:
0xc0: {  	vm0 =	vgt.f32 v18, $-1.000000020e+29;
	v17 =	vmov s21;
	v15 =	vmov s22;
	v24 =	vld.idx.msk [tilespmem:v9+s9+$0x0], $0xffff;
	[tilespmem:s17+$0xFFFFFFE0] =	vst v19;
	v18 =	vpop (erf);
	(pc) =	sbr.rel @p0 .LBB2_2-.Ltmp0, $4  }
0xc1: {  	s21 =	sadd.s32 $0x8, s20;
	s22 =	sadd.s32 $0x9, s20;
	v22 =	vsel vm0, $0x3F800000, v1;
	v26 =	vadd.f32 $1.000000000e+00, v21;
	v28 =	vld.idx.msk [tilespmem:v11+s9+$0x0], $0xffff;
	[tilespmem:s18+$0xFFFFFFF0] =	vst v18;
	(erf) = vrcp.f32 v25;
	v20 =	vpop (erf)  }
0xc2: {  	vm0 =	vgt.f32 v16, $-1.000000020e+29;
	v19 =	vmov s21;
	v18 =	vmov s22;
	v29 =	vld.idx.msk [tilespmem:v10+s9+$0x0], $0xffff;
	[tilespmem:s17+$0xFFFFFFF0] =	vst v22;
	v16 =	vpop (erf)  }
0xc3: {  	s21 =	sadd.s32 $0xA, s20;
	v27 =	vsel vm0, $0x3F800000, v1;
	s22 =	sadd.s32 $0xF, s20;
	v21 =	vadd.f32 $1.000000000e+00, v20;
	v30 =	vld.idx.msk [tilespmem:v14+s9+$0x0], $0xffff;
	[tilespmem:s18+$0x0] =	vst v16;
	v25 =	vpop (erf);
	(erf) = vrcp.f32 v26  }
0xc4: {  	vm0 =	vgt.f32 v13, $-1.000000020e+29;
	s20 =	sadd.s32 $0x10, s20;
	v20 =	vmov s22;
	v16 =	vmov s21;
	v31 =	vld.idx.msk [tilespmem:v12+s9+$0x0], $0xffff;
	[tilespmem:s17+$0x0] =	vst v27;
	v22 =	vpop (erf)  }
0xc5: {  	v13 =	vadd.f32 $1.000000000e+00, v25;
	v27 =	vsel vm0, $0x3F800000, v1  }
0xc6: {  	(erf) = vrcp.f32 v21;
	vm8 =	vgt.f32 v8, $-1.000000020e+29;
	v33 =	vshll.u32 v2, $0x3  }
0xc7: {  	vm9 =	vgt.f32 v7, $-1.000000020e+29;
	v60 =	vshll.u32 v23, $0x4;
	v62 =	vshll.u32 v24, $0x4  }
0xc8: {  	vm10 =	vgt.f32 v6, $-1.000000020e+29;
	vm11 =	vgt.f32 v5, $-1.000000020e+29;
	vm12 =	vgt.f32 v4, $-1.000000020e+29  }
0xc9: {  	v63 =	vld.idx.msk [tilespmem:v17+s9+$0x0], $0xffff;
	vm13 =	vgt.f32 v3, $-1.000000020e+29;
	v9 =	vshll.u32 v9, $0x3;
	v11 =	vshll.u32 v11, $0x3  }
0xca: {  	v45 =	vld.idx.msk [tilespmem:v19+s9+$0x0], $0xffff;
	v10 =	vshll.u32 v10, $0x3;
	v53 =	vshll.u32 v12, $0x3;
	v17 =	vshll.u32 v17, $0x3  }
0xcb: {  	s20 =	sadd.s32 $0xB, s19;
	s26 =	sadd.s32 $0xC, s19;
	v47 =	vld.idx.msk [tilespmem:v18+s9+$0x0], $0xffff;
	v19 =	vshll.u32 v19, $0x3;
	v59 =	vshll.u32 v20, $0x3;
	v18 =	vshll.u32 v18, $0x3  }
0xcc: {  	s28 =	sadd.s32 $0xD, s19;
	s29 =	sadd.s32 $0xE, s19;
	v61 =	vld.idx.msk [tilespmem:v20+s9+$0x0], $0xffff;
	v32 =	vmov s20;
	v8 =	vmov s26;
	v26 =	vsel vm8, $0x3F800000, v1  }
0xcd: {  	v2 =	vmov s28;
	v34 =	vmov s29;
	v25 =	vsel vm9, $0x3F800000, v1  }
0xce: {  	v7 =	vor.u32 v0, v60;
	v35 =	vor.u32 v0, v62;
	v42 =	vshll.u32 v28, $0x4  }
0xcf: {  	v43 =	vld.idx.msk [tilespmem:v15+s9+$0x0], $0xffff;
	v23 =	vsel vm10, $0x3F800000, v1;
	v21 =	vsel vm11, $0x3F800000, v1;
	v24 =	vsel vm12, $0x3F800000, v1  }
0xd0: {  	v49 =	vld.idx.msk [tilespmem:v16+s9+$0x0], $0xffff;
	(erf) = vrcp.f32 v13;
	v36 =	vor.u32 v0, v42;
	v44 =	vshll.u32 v29, $0x4  }
0xd1: {  	v42 =	vshll.u32 v14, $0x3;
	v29 =	vor.u32 v0, v44;
	v13 =	vshll.u32 v61, $0x4;
	v39 =	vld.idx.msk [tilespmem:v32+s9+$0x0], $0xffff  }
0xd2: {  	v46 =	vshll.u32 v30, $0x4;
	v48 =	vshll.u32 v31, $0x4;
	v38 =	vor.u32 v0, v13;
	v3 =	vld.idx.msk [tilespmem:v8+s9+$0x0], $0xffff  }
0xd3: {  	v44 =	vshll.u32 v8, $0x3;
	v37 =	vor.u32 v0, v46;
	v50 =	vor.u32 v0, v48;
	v40 =	vld.idx.msk [tilespmem:v2+s9+$0x0], $0xffff  }
0xd4: {  	v6 =	vshll.u32 v63, $0x4;
	v28 =	vshll.u32 v43, $0x4;
	v5 =	vshll.u32 v45, $0x4;
	v41 =	vld.idx.msk [tilespmem:v34+s9+$0x0], $0xffff  }
0xd5: {  	v30 =	vshll.u32 v47, $0x4;
	v31 =	vshll.u32 v49, $0x4;
	v45 =	vshll.u32 v2, $0x3;
	v7 =	vld.idx.msk [tilespmem:v7+s10+$0x0], $0xffff  }
0xd6: {  	v6 =	vor.u32 v0, v6;
	v13 =	vsel vm13, $0x3F800000, v1;
	v28 =	vor.u32 v0, v28;
	v35 =	vld.idx.msk [tilespmem:v35+s10+$0x0], $0xffff  }
0xd7: {  	v5 =	vor.u32 v0, v5;
	v30 =	vor.u32 v0, v30;
	v51 =	vor.u32 v0, v31;
	v38 =	vld.idx.msk [tilespmem:v38+s10+$0x0], $0xffff  }
0xd8: {  	v32 =	vshll.u32 v32, $0x3;
	v34 =	vshll.u32 v34, $0x3;
	v55 =	vld.idx.msk [tilespmem:v36+s10+$0x0], $0xffff;
	v52 =	vshll.u32 v39, $0x4  }
0xd9: {  	v29 =	vld.idx.msk [tilespmem:v29+s10+$0x0], $0xffff;
	v3 =	vshll.u32 v3, $0x4;
	v56 =	vshll.u32 v40, $0x4;
	v40 =	vshll.u32 v15, $0x3  }
0xda: {  	v37 =	vld.idx.msk [tilespmem:v37+s10+$0x0], $0xffff;
	v57 =	vshll.u32 v41, $0x4;
	v41 =	vshll.u32 v16, $0x3;
	v2 =	vand.u32 $0xFFFFFFF8, v7  }
0xdb: {  	v4 =	vld.idx.msk [tilespmem:v50+s10+$0x0], $0xffff;
	v7 =	vand.u32 $0x7, v7;
	v60 =	vand.u32 $0x7, v35;
	v35 =	vand.u32 $0xFFFFFFF8, v35  }
0xdc: {  	v6 =	vld.idx.msk [tilespmem:v6+s10+$0x0], $0xffff;
	v54 =	vor.u32 v0, v52;
	v3 =	vor.u32 v0, v3;
	v58 =	vand.u32 $0x7, v38  }
0xdd: {  	v28 =	vld.idx.msk [tilespmem:v28+s10+$0x0], $0xffff;
	v36 =	vor.u32 v0, v56;
	v43 =	vor.u32 v0, v57;
	v20 =	vor.u32 v58, v59  }
0xde: {  	v5 =	vld.idx.msk [tilespmem:v5+s10+$0x0], $0xffff;
	v9 =	vor.u32 v60, v9;
	v46 =	vand.u32 $0xFFFFFFF8, v55;
	v61 =	vand.u32 $0x7, v55  }
0xdf: {  	v30 =	vld.idx.msk [tilespmem:v30+s10+$0x0], $0xffff;
	v33 =	vor.u32 v33, v7;
	vm1 =	vgt.f32 v35, $-1.000000020e+29;
	v15 =	vand.u32 $0xFFFFFFF8, v29  }
0xe0: {  	v63 =	vld.idx.msk [tilespmem:v51+s10+$0x0], $0xffff;
	v31 =	vor.u32 v61, v11;
	v62 =	vand.u32 $0x7, v29;
	vm14 =	vgt.f32 v46, $-1.000000020e+29  }
0xe1: {  	v14 =	vand.u32 $0xFFFFFFF8, v37;
	v47 =	vor.u32 v62, v10;
	v51 =	vand.u32 $0x7, v37;
	v52 =	vld.idx.msk [tilespmem:v54+s10+$0x0], $0xffff  }
0xe2: {  	v12 =	vand.u32 $0xFFFFFFF8, v4;
	v42 =	vor.u32 v51, v42;
	v11 =	vand.u32 $0xFFFFFFF8, v6;
	v20 =	vld.idx.msk [tilespmem:v20+s2+$0x0], $0xffff  }
0xe3: {  	v10 =	vand.u32 $0xFFFFFFF8, v28;
	v8 =	vand.u32 $0xFFFFFFF8, v5;
	v48 =	vld.idx.msk [tilespmem:v3+s10+$0x0], $0xffff;
	v3 =	vand.u32 $0x7, v4  }
0xe4: {  	v16 =	vand.u32 $0xFFFFFFF8, v38;
	v57 =	vand.u32 $0x7, v5;
	v39 =	vor.u32 v3, v53;
	v3 =	vld.idx.msk [tilespmem:v9+s2+$0x0], $0xffff  }
0xe5: {  	v60 =	vand.u32 $0x7, v30;
	v29 =	vand.u32 $0x7, v63;
	v36 =	vld.idx.msk [tilespmem:v36+s10+$0x0], $0xffff;
	v54 =	vand.u32 $0x7, v28  }
0xe6: {  	v19 =	vor.u32 v57, v19;
	v18 =	vor.u32 v60, v18;
	v29 =	vor.u32 v29, v41;
	v31 =	vld.idx.msk [tilespmem:v31+s2+$0x0], $0xffff  }
0xe7: {  	vm2 =	vgt.f32 v16, $-1.000000020e+29;
	v53 =	vand.u32 $0x7, v6;
	v59 =	vld.idx.msk [tilespmem:v47+s2+$0x0], $0xffff;
	v55 =	vadd.f32 v16, v20  }
0xe8: {  	v56 =	vld.idx.msk [tilespmem:v43+s10+$0x0], $0xffff;
	v9 =	vand.u32 $0xFFFFFFF8, v30;
	v28 =	vor.u32 v54, v40;
	v17 =	vor.u32 v53, v17  }
0xe9: {  	v6 =	vand.u32 $0xFFFFFFF8, v63;
	v62 =	vld.idx.msk [tilespmem:v42+s2+$0x0], $0xffff;
	v63 =	vadd.f32 v35, v3;
	v58 =	vsub.f32 $0.0e+00, v55  }
0xea: {  	v4 =	vand.u32 $0xFFFFFFF8, v52;
	v7 =	vand.u32 $0xFFFFFFF8, v48;
	v5 =	vand.u32 $0xFFFFFFF8, v36  }
0xeb: {  	v33 =	vld.idx.msk [tilespmem:v33+s2+$0x0], $0xffff;
	v31 =	vadd.f32 v46, v31;
	v50 =	vsub.f32 $0.0e+00, v63;
	v61 =	vmul.f32 $1.442695020e+00, v58  }
0xec: {  	v47 =	vand.u32 $0x7, v52;
	v51 =	vand.u32 $0x7, v48;
	v49 =	vld.idx.msk [tilespmem:v39+s2+$0x0], $0xffff;
	v38 =	vadd.f32 v15, v59  }
0xed: {  	v17 =	vld.idx.msk [tilespmem:v17+s2+$0x0], $0xffff;
	v31 =	vsub.f32 $0.0e+00, v31;
	v39 =	vmul.f32 $1.442695020e+00, v50;
	(erf) = vpow2.f32 v61  }
0xee: {  	v36 =	vand.u32 $0x7, v36;
	v3 =	vand.u32 $0xFFFFFFF8, v56;
	v52 =	vadd.f32 v14, v62  }
0xef: {  	v28 =	vld.idx.msk [tilespmem:v28+s2+$0x0], $0xffff;
	v53 =	vsub.f32 $0.0e+00, v38;
	v31 =	vmul.f32 $1.442695020e+00, v31;
	(erf) = vpow2.f32 v39  }
0xf0: {  	v54 =	vpop (erf);
	v19 =	vld.idx.msk [tilespmem:v19+s2+$0x0], $0xffff;
	v30 =	vor.u32 v47, v32;
	v20 =	vand.u32 $0x7, v56;
	v35 =	vsub.f32 $0.0e+00, v52  }
0xf1: {  	v18 =	vld.idx.msk [tilespmem:v18+s2+$0x0], $0xffff;
	v56 =	vpop (erf);
	v37 =	vadd.f32 v12, v49;
	v32 =	vmul.f32 $1.442695020e+00, v53;
	(erf) = vpow2.f32 v31  }
0xf2: {  	v33 =	vadd.f32 v2, v33;
	v36 =	vor.u32 v36, v45;
	v57 =	vpop (erf);
	v17 =	vadd.f32 v11, v17  }
0xf3: {  	v35 =	vmul.f32 $1.442695020e+00, v35;
	v37 =	vsub.f32 $0.0e+00, v37;
	v58 =	vpop (erf);
	(erf) = vpow2.f32 v32  }
0xf4: {  	v29 =	vld.idx.msk [tilespmem:v29+s2+$0x0], $0xffff;
	v28 =	vadd.f32 v10, v28;
	v55 =	vor.u32 v51, v44;
	v17 =	vsub.f32 $0.0e+00, v17;
	v59 =	vpop (erf)  }
0xf5: {  	[tilespmem:s18+$0x10] =	vst v22;
	v19 =	vadd.f32 v8, v19;
	v61 =	vmul.f32 $1.442695020e+00, v37;
	v60 =	vpop (erf);
	(erf) = vpow2.f32 v35  }
0xf6: {  	[tilespmem:s17+$0x10] =	vst v27;
	v18 =	vadd.f32 v9, v18;
	v28 =	vsub.f32 $0.0e+00, v28;
	v17 =	vmul.f32 $1.442695020e+00, v17;
	v63 =	vpop (erf)  }
0xf7: {  	[tilespmem:s18+$0x20] =	vst v54;
	v30 =	vld.idx.msk [tilespmem:v30+s2+$0x0], $0xffff;
	v20 =	vor.u32 v20, v34;
	(erf) = vpow2.f32 v61;
	v35 =	vadd.f32 $1.000000000e+00, v63  }
0xf8: {  	[tilespmem:s17+$0x20] =	vst v26;
	v19 =	vsub.f32 $0.0e+00, v19;
	v28 =	vmul.f32 $1.442695020e+00, v28;
	(erf) = vpow2.f32 v17;
	v37 =	vpop (erf)  }
0xf9: {  	v29 =	vadd.f32 v6, v29;
	[tilespmem:s18+$0x30] =	vst v56;
	v62 =	vld.idx.msk [tilespmem:v55+s2+$0x0], $0xffff;
	v38 =	vadd.f32 $1.000000000e+00, v37;
	(erf) = vrcp.f32 v35  }
0xfa: {  	v36 =	vld.idx.msk [tilespmem:v36+s2+$0x0], $0xffff;
	[tilespmem:s17+$0x30] =	vst v25;
	v18 =	vsub.f32 $0.0e+00, v18;
	v19 =	vmul.f32 $1.442695020e+00, v19;
	v39 =	vpop (erf);
	(erf) = vpow2.f32 v28  }
0xfb: {  	[tilespmem:s18+$0x40] =	vst v57;
	v42 =	vsub.f32 $0.0e+00, v29;
	v25 =	vadd.f32 $1.000000000e+00, v39;
	(erf) = vrcp.f32 v38  }
0xfc: {  	[tilespmem:s17+$0x40] =	vst v23;
	v40 =	vmul.f32 $1.442695020e+00, v18;
	v30 =	vadd.f32 v4, v30;
	v43 =	vpop (erf);
	(erf) = vpow2.f32 v19  }
0xfd: {  	v18 =	vmul.f32 $1.442695020e+00, v42;
	v20 =	vld.idx.msk [tilespmem:v20+s2+$0x0], $0xffff;
	[tilespmem:s18+$0x50] =	vst v58;
	v44 =	vadd.f32 $1.000000000e+00, v43;
	(erf) = vrcp.f32 v25  }
0xfe: {  	[tilespmem:s17+$0x50] =	vst v21;
	v46 =	vsub.f32 $0.0e+00, v30;
	v27 =	vadd.f32 v7, v62;
	v47 =	vpop (erf);
	(erf) = vpow2.f32 v40  }
0xff: {  	v45 =	vadd.f32 v5, v36;
	[tilespmem:s18+$0x60] =	vst v59;
	v48 =	vadd.f32 $1.000000000e+00, v47;
	(erf) = vrcp.f32 v44  }
0x100: {  	[tilespmem:s17+$0x60] =	vst v24;
	v49 =	vmul.f32 $1.442695020e+00, v46;
	v50 =	vsub.f32 $0.0e+00, v27;
	v51 =	vpop (erf);
	(erf) = vpow2.f32 v18  }
0x101: {  	v53 =	vsub.f32 $0.0e+00, v45;
	[tilespmem:s18+$0xFFFFFF80] =	vst v60;
	v52 =	vadd.f32 $1.000000000e+00, v51;
	v54 =	vpop (erf);
	(erf) = vrcp.f32 v48  }
0x102: {  	s30 =	sadd.s32 $0x100, s18;
	[tilespmem:s17+$0xFFFFFF80] =	vst v13;
	v20 =	vadd.f32 v3, v20;
	v55 =	vmul.f32 $1.442695020e+00, v50;
	(erf) = vpow2.f32 v49;
	v56 =	vpop (erf)  }
0x103: {  	s31 =	sadd.s32 $0x100, s17;
	v57 =	vsel vm2, $0x3F800000, v1;
	v17 =	vadd.f32 $1.000000000e+00, v54;
	[tilespmem:s30+$0x70] =	vst v56;
	(erf) = vrcp.f32 v52;
	v58 =	vpop (erf)  }
0x104: {  	v59 =	vmul.f32 $1.442695020e+00, v53;
	v20 =	vsub.f32 $0.0e+00, v20;
	[tilespmem:s31+$0x70] =	vst v57;
	v60 =	vpop (erf);
	(erf) = vpow2.f32 v55  }
0x105: {  	v61 =	vsel vm1, $0x3F800000, v1;
	v62 =	vadd.f32 $1.000000000e+00, v58;
	[tilespmem:s30+$0xFFFFFF90] =	vst v60;
	(erf) = vrcp.f32 v17;
	v63 =	vpop (erf)  }
0x106: {  	v24 =	vsub.f32 $0.0e+00, v33;
	v25 =	vmul.f32 $1.442695020e+00, v20;
	[tilespmem:s31+$0xFFFFFF90] =	vst v61;
	v26 =	vpop (erf);
	(erf) = vpow2.f32 v59  }
0x107: {  	v27 =	vsel vm14, $0x3F800000, v1;
	v17 =	vadd.f32 $1.000000000e+00, v63;
	[tilespmem:s30+$0xFFFFFFA0] =	vst v26;
	(erf) = vrcp.f32 v62;
	v28 =	vpop (erf)  }
0x108: {  	vm15 =	vgt.f32 v15, $-1.000000020e+29;
	v18 =	vmul.f32 $1.442695020e+00, v24;
	[tilespmem:s31+$0xFFFFFFA0] =	vst v27;
	v29 =	vpop (erf);
	(erf) = vpow2.f32 v25  }
0x109: {  	v30 =	vsel vm15, $0x3F800000, v1;
	v31 =	vadd.f32 $1.000000000e+00, v28;
	[tilespmem:s30+$0xFFFFFFB0] =	vst v29;
	(erf) = vrcp.f32 v17;
	v32 =	vpop (erf)  }
0x10a: {  	vm4 =	vgt.f32 v14, $-1.000000020e+29;
	[tilespmem:s31+$0xFFFFFFB0] =	vst v30;
	(erf) = vpow2.f32 v18;
	v33 =	vpop (erf)  }
0x10b: {  	v34 =	vsel vm4, $0x3F800000, v1;
	v35 =	vadd.f32 $1.000000000e+00, v32;
	[tilespmem:s30+$0xFFFFFFC0] =	vst v33;
	(erf) = vrcp.f32 v31;
	v36 =	vpop (erf)  }
0x10c: {  	vm5 =	vgt.f32 v12, $-1.000000020e+29;
	[tilespmem:s31+$0xFFFFFFC0] =	vst v34;
	v37 =	vpop (erf)  }
0x10d: {  	v38 =	vsel vm5, $0x3F800000, v1;
	v39 =	vadd.f32 $1.000000000e+00, v36;
	(erf) = vrcp.f32 v35;
	[tilespmem:s30+$0xFFFFFFD0] =	vst v37;
	v40 =	vpop (erf)  }
0x10e: {  	vm6 =	vgt.f32 v11, $-1.000000020e+29;
	[tilespmem:s31+$0xFFFFFFD0] =	vst v38;
	v41 =	vpop (erf)  }
0x10f: {  	v42 =	vsel vm6, $0x3F800000, v1;
	v43 =	vadd.f32 $1.000000000e+00, v40;
	(erf) = vrcp.f32 v39;
	[tilespmem:s30+$0xFFFFFFE0] =	vst v41;
	v44 =	vpop (erf)  }
0x110: {  	vm7 =	vgt.f32 v10, $-1.000000020e+29;
	[tilespmem:s31+$0xFFFFFFE0] =	vst v42;
	v45 =	vpop (erf)  }
0x111: {  	v46 =	vsel vm7, $0x3F800000, v1;
	v47 =	vadd.f32 $1.000000000e+00, v44;
	(erf) = vrcp.f32 v43;
	[tilespmem:s30+$0xFFFFFFF0] =	vst v45;
	v48 =	vpop (erf)  }
0x112: {  	vm8 =	vgt.f32 v8, $-1.000000020e+29;
	[tilespmem:s31+$0xFFFFFFF0] =	vst v46;
	v49 =	vpop (erf)  }
0x113: {  	v50 =	vsel vm8, $0x3F800000, v1;
	v51 =	vadd.f32 $1.000000000e+00, v48;
	(erf) = vrcp.f32 v47;
	[tilespmem:s30+$0x0] =	vst v49;
	v52 =	vpop (erf)  }
0x114: {  	vm9 =	vgt.f32 v9, $-1.000000020e+29;
	[tilespmem:s31+$0x0] =	vst v50;
	v53 =	vpop (erf)  }
0x115: {  	v55 =	vsel vm9, $0x3F800000, v1;
	v54 =	vadd.f32 $1.000000000e+00, v52;
	(erf) = vrcp.f32 v51;
	[tilespmem:s30+$0x10] =	vst v53  }
0x116: {  	vm10 =	vgt.f32 v6, $-1.000000020e+29;
	v56 =	vpop (erf);
	[tilespmem:s31+$0x10] =	vst v55  }
0x117: {  	v57 =	vsel vm10, $0x3F800000, v1;
	[tilespmem:s30+$0x20] =	vst v56;
	(erf) = vrcp.f32 v54  }
0x118: {  	vm11 =	vgt.f32 v4, $-1.000000020e+29;
	[tilespmem:s31+$0x20] =	vst v57;
	v58 =	vpop (erf)  }
0x119: {  	v59 =	vsel vm11, $0x3F800000, v1;
	[tilespmem:s30+$0x30] =	vst v58  }
0x11a: {  	vm12 =	vgt.f32 v7, $-1.000000020e+29;
	[tilespmem:s31+$0x30] =	vst v59;
	v60 =	vpop (erf)  }
0x11b: {  	v61 =	vsel vm12, $0x3F800000, v1;
	[tilespmem:s30+$0x40] =	vst v60  }
0x11c: {  	vm13 =	vgt.f32 v5, $-1.000000020e+29;
	[tilespmem:s31+$0x40] =	vst v61;
	v62 =	vpop (erf)  }
0x11d: {  	v63 =	vsel vm13, $0x3F800000, v1;
	[tilespmem:s30+$0x50] =	vst v62  }
0x11e: {  	vm14 =	vgt.f32 v3, $-1.000000020e+29;
	[tilespmem:s31+$0x50] =	vst v63;
	v3 =	vpop (erf)  }
0x11f: {  	[tilespmem:s30+$0x60] =	vst v3;
	v3 =	vsel vm14, $0x3F800000, v1  }
0x120: {  	vm15 =	vgt.f32 v2, $-1.000000020e+29;
	[tilespmem:s31+$0x60] =	vst v3;
	v2 =	vpop (erf)  }
0x121: {  	[tilespmem:s30+$0xFFFFFF80] =	vst v2;
	v2 =	vsel vm15, $0x3F800000, v1  }
0x122: {  	[tilespmem:s31+$0xFFFFFF80] =	vst v2  }
0x123: {  	[hbm4b:s6+s2] =	stream.linear.scatter [tilespmem:s14], [sflag:$0x1], $0x800, $0x38;
	[tilespmem:$0x1500] =	vst v63  }
0x124: {  	s16 =	sadd.s32 $0x1, s16  }
0x125: {  	[hbm4b:s7+s2] =	stream.linear.scatter [tilespmem:s15], [sflag:$0x2], $0x800, $0x38;
	[tilespmem:$0x1500] =	vst v63  }
0x126: {  	p0 =	sne.s32 s16, s8;
	_ =	swait.ge [sflag:s11], $0x800  }
.Ltmp1:
0x127: {  	[sflag:s11] =	ssyncset.done $0x0;
	(pc) =	sbr.rel @p0 .LBB2_1-.Ltmp1, $4  }
0x128: {  	[sflag:s11] =	ssyncadd.s32 $0xFFFFF800  }
0x129: {  	_ =	swait.ge [sflag:s12], $0x800  }
0x12a: {  	[sflag:s12] =	ssyncset.done $0x0  }
0x12b: {  	[sflag:s12] =	ssyncadd.s32 $0xFFFFF800  }
0x12c: {  	_ =	sfence.sel $0x180000  }
0x12d: {  	[bflag:$0x0] =	sbarrier.arrive $0xFFFF  }
0x12e: {  	p0 =	sne.s32 s1, $0x0;
	_ =	strace $0x90000047  }
0x12f: {  	s0 =	sadd.s32 @!p0 $0x100000, s0;
	[bflag:$0x2] =	sbarrier.arrive $0xFFFF  }
0x130: {  	[sflag:s0] =	ssyncadd.tile.s32 @!p0 $0x1;
	_ =	shalt  }
.Lfunc_end2:
_tile_overlayer_lowered:
.L_overlay_start_2:
0x131: {  	(tag) =	ssettag $0x2  }
0x132: {  	s0 =	rddreg [dreg:$0x0];
	s2 =	stileid.u32  }
0x133: {  	s1 =	rddreg [dreg:$0x1];
	p0 =	sne.s32 s2, $0x0  }
0x134: {  	s3 =	rddreg [dreg:$0x2];
	[bflag:$0x3] =	sbarrier.arrive $0xFFFF;
	s2 =	simm.s32 @!p0 $0x1C04  }
0x135: {  	[timem:s3], [sflag:s2] =	dma.local @!p0 [hbm:s0], s1  }
0x136: {  	s0 =	simm.s32 @!p0 $0x4  }
0x137: {  	_ =	swait.ge @!p0 [sflag:s0], s1  }
0x138: {  	s1 =	ssub.s32 @!p0 $0x0, s1;
	[sflag:s0] =	ssyncset.done @!p0 $0x0  }
0x139: {  	[sflag:s0] =	ssyncadd.s32 @!p0 s1  }
0x13a: {  	[bflag:$0x3] =	sbarrier.arrive $0xFFFF  }
0x13b: {  	_ =	shalt  }

</sc_bundles>
